<compile_context>
chip_gen: v7x
topology: tpu7x:2x2x1
jax: 0.10.2.dev20260603
libtpu: 0.0.44.dev20260713+nightly
codegen_flags: <defaults>
</compile_context>

<pallas_src>
import functools

import jax
import jax.numpy as jnp
from jax import lax
from jax.experimental import pallas as pl
from jax.experimental.pallas import tpu as pltpu
from jax.experimental.pallas import tpu_sc as plsc

VOCAB_SIZE = 100000
DIM = 300
LANES = 16
BLK = 128
CHUNK = 80

PDIM = 304

_ZERO_STARTS = tuple(range(0, DIM + 4, LANES))


def _make_kernel(num_tokens):
    info = plsc.get_sparse_core_info()
    num_workers = info.num_cores * info.num_subcores
    per_worker = num_tokens // num_workers
    num_chunks = per_worker // CHUNK
    mesh = plsc.VectorSubcoreMesh(core_axis_name="c", subcore_axis_name="s")

    @functools.partial(
        pl.kernel,
        mesh=mesh,
        compiler_params=pltpu.CompilerParams(needs_layout_passes=False),
        out_type=jax.ShapeDtypeStruct((num_tokens, PDIM), jnp.float32),
        scratch_types=[
            pltpu.VMEM((per_worker + LANES,), jnp.int32),
            pltpu.VMEM((CHUNK,), jnp.int32),
            pltpu.VMEM((CHUNK,), jnp.int32),
            pltpu.VMEM((CHUNK, BLK), jnp.float32),
            pltpu.VMEM((CHUNK, BLK), jnp.float32),
            pltpu.VMEM((CHUNK, PDIM), jnp.float32),
            pltpu.VMEM((CHUNK, PDIM), jnp.float32),
            pltpu.SemaphoreType.DMA,
            pltpu.SemaphoreType.DMA,
            pltpu.SemaphoreType.DMA,
        ],
    )
    def emb_kernel(table_hbm, side_hbm, idx_hbm, out_hbm, ids_v, gidx0,
                   gidx1, ws0, ws1, pk0, pk1, sem_g, sem_o0, sem_o1):
        wid = lax.axis_index("s") * info.num_cores + lax.axis_index("c")
        base = wid * per_worker

        zeros16 = jnp.zeros((LANES,), jnp.float32)

        pltpu.sync_copy(idx_hbm.at[pl.ds(base, per_worker)],
                        ids_v.at[pl.ds(0, per_worker)])

        def build(c, gidx_ref):
            off = c * CHUNK
            for grp in range(CHUNK // LANES):
                v = ids_v[pl.ds(off + grp * LANES, LANES)]
                gidx_ref[pl.ds(grp * LANES, LANES)] = jnp.minimum(
                    v, VOCAB_SIZE - 1)

        def start_gathers(gidx_ref, ws_ref, pk_ref):
            hs = []
            for k in range(CHUNK // LANES):
                r = pl.ds(k * LANES, LANES)
                hs.append(pltpu.async_copy(
                    table_hbm.at[gidx_ref.at[r], pl.ds(0, 2 * BLK)],
                    pk_ref.at[r, pl.ds(0, 2 * BLK)], sem_g))
                hs.append(pltpu.async_copy(
                    side_hbm.at[gidx_ref.at[r]], ws_ref.at[r], sem_g))
            return tuple(hs)

        def compact(c, ws_ref, pk_ref):
            off = c * CHUNK

            def one(t, _):
                pk_ref[t, pl.ds(2 * BLK, LANES)] = ws_ref[t, pl.ds(0, LANES)]
                pk_ref[t, pl.ds(2 * BLK + LANES, LANES)] = (
                    ws_ref[t, pl.ds(LANES, LANES)])
                pk_ref[t, pl.ds(2 * BLK + 2 * LANES, LANES)] = (
                    ws_ref[t, pl.ds(2 * LANES, LANES)])
                return 0

            lax.fori_loop(0, CHUNK, one, 0)

            def grp(g, _):
                v = ids_v[pl.ds(off + g * LANES, LANES)]
                n_oov = plsc.all_reduce_population_count(v >= VOCAB_SIZE)

                @pl.when(n_oov[0] > 0)
                def _():
                    def zero_one(t, _):
                        vv = ids_v[pl.ds(off + g * LANES + t, LANES)][0]

                        @pl.when(vv >= VOCAB_SIZE)
                        def _():
                            for o in _ZERO_STARTS:
                                pk_ref[g * LANES + t, pl.ds(o, LANES)] = zeros16

                        return 0

                    lax.fori_loop(0, LANES, zero_one, 0)

                return 0

            lax.fori_loop(0, CHUNK // LANES, grp, 0)

        def start_out(c, pk_ref, sem):
            return pltpu.async_copy(
                pk_ref, out_hbm.at[pl.ds(base + c * CHUNK, CHUNK)], sem)

        def wait_out(c, pk_ref, sem):
            pltpu.make_async_copy(
                pk_ref, out_hbm.at[pl.ds(base + c * CHUNK, CHUNK)], sem).wait()

        def round_(c, gidx_ref, ws_ref, pk_ref, sem_o, ws_prev, pk_prev,
                   sem_o_prev):
            build(c, gidx_ref)

            @pl.when(c >= 2)
            def _():
                wait_out(c - 2, pk_ref, sem_o)

            hs = start_gathers(gidx_ref, ws_ref, pk_ref)

            @pl.when(c >= 1)
            def _():
                compact(c - 1, ws_prev, pk_prev)
                start_out(c - 1, pk_prev, sem_o_prev)

            for h in hs:
                h.wait()

        def loop_body(c, _):
            @pl.when((c & 1) == 0)
            def _():
                round_(c, gidx0, ws0, pk0, sem_o0, ws1, pk1, sem_o1)

            @pl.when((c & 1) == 1)
            def _():
                round_(c, gidx1, ws1, pk1, sem_o1, ws0, pk0, sem_o0)

            return 0

        lax.fori_loop(0, num_chunks, loop_body, 0)

        last = num_chunks - 1
        compact(last, ws1, pk1)
        start_out(last, pk1, sem_o1)
        wait_out(last - 1, pk0, sem_o0)
        wait_out(last, pk1, sem_o1)

    return emb_kernel


@jax.jit
def kernel(indices, table):
    batch, seq = indices.shape
    side = jnp.pad(table[:, 2 * BLK:], ((0, 0), (0, 3 * BLK - DIM)))
    flat_idx = indices.reshape(batch * seq)
    out = _make_kernel(batch * seq)(table, side, flat_idx)
    return out[:, :DIM].reshape(batch, seq, DIM)

# --- scband reference (transcript-rebuilt; emitter-appended) ---
"""Pipeline reference for scband-glove-embedder-61057255080021 (READ-ONLY COPY).

The authoritative reference and input builder live on the scoring server;
editing this copy changes nothing except your own understanding.
"""

import jax, jax.numpy as jnp
import numpy as np

VOCAB = 100000
EMBED_DIM = 300

def setup_inputs(seed: int = 0) -> dict:
    key = jax.random.key(seed)
    k1, k2 = jax.random.split(key)
    # token ids; values >= VOCAB model out-of-vocabulary words (-> zero 'unk' embedding)
    indices = jax.random.randint(k1, (4096, 20), 0, 105000, dtype=jnp.int64) if jax.config.read('jax_enable_x64') else jax.random.randint(k1, (4096, 20), 0, 105000, dtype=jnp.int32)
    # GloVe embedding table (stand-in for the parsed embedding_file dict, 300-dim rows)
    table = jax.random.normal(k2, (VOCAB, EMBED_DIM), dtype=jnp.float32)
    return {"indices": indices, "table": table}

def reference(indices, table):
    # Faithful to GloveEmbedder.forward: per-token dict lookup with
    # zero 'unk' embedding for words not in the vocabulary.
    in_vocab = indices < VOCAB
    safe_idx = jnp.clip(indices, 0, VOCAB - 1)
    gathered = jnp.take(table, safe_idx, axis=0)  # [B, L, 300]
    out = jnp.where(in_vocab[..., None], gathered, jnp.zeros((), dtype=table.dtype))
    return out

if __name__ == "__main__":
    import jax
    _d = setup_inputs()
    print(jax.jit(kernel)(*tuple(_d.values())))

</pallas_src>

<mosaic_0001>
#map = affine_map<(d0, d1) -> (0, 0)>
#map1 = affine_map<(d0, d1) -> (0)>
module attributes {stable_mosaic.version = 14 : i64} {
  func.func @emb_kernel(%arg0: i32, %arg1: i32, %arg2: memref<100000x300xf32, #tpu.memory_space<hbm>>, %arg3: memref<100000x128xf32, #tpu.memory_space<hbm>>, %arg4: memref<81920xi32, #tpu.memory_space<hbm>>, %arg5: memref<81920x304xf32, #tpu.memory_space<hbm>>, %arg6: memref<2576xi32, #tpu.memory_space<vmem>>, %arg7: memref<80xi32, #tpu.memory_space<vmem>>, %arg8: memref<80xi32, #tpu.memory_space<vmem>>, %arg9: memref<80x128xf32, #tpu.memory_space<vmem>>, %arg10: memref<80x128xf32, #tpu.memory_space<vmem>>, %arg11: memref<80x304xf32, #tpu.memory_space<vmem>>, %arg12: memref<80x304xf32, #tpu.memory_space<vmem>>, %arg13: memref<!tpu.dma_semaphore, #tpu.memory_space<semaphore_mem>>, %arg14: memref<!tpu.dma_semaphore, #tpu.memory_space<semaphore_mem>>, %arg15: memref<!tpu.dma_semaphore, #tpu.memory_space<semaphore_mem>>) attributes {dimension_semantics = [#tpu.dimension_semantics<core_parallel>, #tpu.dimension_semantics<subcore_parallel>], iteration_bounds = array<i64: 2, 16>, scalar_prefetch = 0 : i64, scratch_operands = 10 : i64, tpu.core_type = #tpu.core_type<sc_vector_subcore>, window_params = [{transform_indices = #map}, {transform_indices = #map}, {transform_indices = #map1}, {transform_indices = #map}]} {
    %mul3A = arith.constant 2 : i32
    %mul3A_0 = arith.muli %arg1, %mul3A : i32
    %add3A = arith.addi %mul3A_0, %arg0 : i32
    %mul3A_1 = arith.constant 2560 : i32
    %mul3A_2 = arith.muli %add3A, %mul3A_1 : i32
    %broadcast_in_dim3A = arith.constant 0.000000e+00 : f32
    %broadcast_in_dim3A_3 = vector.broadcast %broadcast_in_dim3A : f32 to vector<16xf32>
    "tpu.region"() ({
      %run_scoped3A = tpu.sem_alloc : memref<!tpu.dma_semaphore, #tpu.memory_space<semaphore_mem>>
      %dma_start3A_40 = arith.constant 0 : i32
      %dma_start3A_41 = tpu.memref_slice %arg6[%dma_start3A_40] : memref<2576xi32, #tpu.memory_space<vmem>> -> memref<2560xi32, #tpu.memory_space<vmem>>
      %dma_start3A_42 = tpu.memref_slice %arg4[%mul3A_2] : memref<81920xi32, #tpu.memory_space<hbm>> -> memref<2560xi32, #tpu.memory_space<hbm>>
      %dma_start3A_43 = arith.constant 0 : i32
      %dma_start3A_44 = tpu.memref_slice %arg6[%dma_start3A_43] : memref<2576xi32, #tpu.memory_space<vmem>> -> memref<2560xi32, #tpu.memory_space<vmem>>
      %dma_start3A_45 = tpu.memref_slice %arg4[%mul3A_2] : memref<81920xi32, #tpu.memory_space<hbm>> -> memref<2560xi32, #tpu.memory_space<hbm>>
      tpu.enqueue_dma source(%dma_start3A_45 : memref<2560xi32, #tpu.memory_space<hbm>>) target(%dma_start3A_44 : memref<2560xi32, #tpu.memory_space<vmem>>) target_semaphore(%run_scoped3A : memref<!tpu.dma_semaphore, #tpu.memory_space<semaphore_mem>>)
      %dma_wait3A_46 = arith.constant 0 : i32
      %dma_wait3A_47 = tpu.memref_slice %arg6[%dma_wait3A_46] : memref<2576xi32, #tpu.memory_space<vmem>> -> memref<2560xi32, #tpu.memory_space<vmem>>
      %dma_wait3A_48 = tpu.memref_slice %arg4[%mul3A_2] : memref<81920xi32, #tpu.memory_space<hbm>> -> memref<2560xi32, #tpu.memory_space<hbm>>
      %dma_wait3A_49 = arith.constant 0 : i32
      %dma_wait3A_50 = tpu.memref_slice %arg6[%dma_wait3A_49] : memref<2576xi32, #tpu.memory_space<vmem>> -> memref<2560xi32, #tpu.memory_space<vmem>>
      %dma_wait3A_51 = tpu.memref_slice %arg4[%mul3A_2] : memref<81920xi32, #tpu.memory_space<hbm>> -> memref<2560xi32, #tpu.memory_space<hbm>>
      tpu.wait_dma2 semaphore(%run_scoped3A : memref<!tpu.dma_semaphore, #tpu.memory_space<semaphore_mem>>) src(%dma_wait3A_51 : memref<2560xi32, #tpu.memory_space<hbm>>) dst(%dma_wait3A_50 : memref<2560xi32, #tpu.memory_space<vmem>>)
      tpu.yield
    }) : () -> ()
    %scan3A = arith.constant 0 : i32
    %scan3A_4 = arith.constant 0 : i32
    %scan3A_5 = arith.constant 32 : i32
    %scan3A_6 = arith.addi %scan3A_4, %scan3A_5 : i32
    %scan3A_7 = arith.constant 1 : i32
    %scan3A_8 = scf.for %scan3A_40 = %scan3A_4 to %scan3A_6 step %scan3A_7 iter_args(%scan3A_41 = %scan3A) -> (i32)  : i32 {
      %and3A = arith.constant 1 : i32
      %and3A_42 = arith.andi %scan3A_40, %and3A : i32
      %eq3A = arith.constant 0 : i32
      %eq3A_43 = arith.cmpi eq, %and3A_42, %eq3A : i32
      %convert_element_type3A = arith.extui %eq3A_43 : i1 to i32
      %cond3A = arith.constant 0 : i32
      %cond3A_44 = arith.cmpi ne, %convert_element_type3A, %cond3A : i32
      scf.if %cond3A_44 {
        %mul3A_53 = arith.constant 80 : i32
        %mul3A_54 = arith.muli %scan3A_40, %mul3A_53 : i32
        %add3A_55 = arith.constant 0 : i32
        %add3A_56 = arith.addi %mul3A_54, %add3A_55 : i32
        %get3A = arith.index_cast %add3A_56 : i32 to index
        %get3A_57 = tpu.vector_load %arg6[%get3A] {strides = array<i32>} : memref<2576xi32, #tpu.memory_space<vmem>>, vector<16xi32>,
        %min3A = arith.constant 99999 : i32
        %min3A_58 = vector.broadcast %min3A : i32 to vector<16xi32>
        %min3A_59 = arith.minsi %get3A_57, %min3A_58 : vector<16xi32>
        %swap3A = arith.constant 0 : index
        %swap3A_60 = tpu.vector_load %arg7[%swap3A] {strides = array<i32>} : memref<80xi32, #tpu.memory_space<vmem>>, vector<16xi32>,
        tpu.vector_store %arg7[%swap3A], %min3A_59 {strides = array<i32>} : memref<80xi32, #tpu.memory_space<vmem>>, vector<16xi32>,
        %add3A_61 = arith.constant 16 : i32
        %add3A_62 = arith.addi %mul3A_54, %add3A_61 : i32
        %get3A_63 = arith.index_cast %add3A_62 : i32 to index
        %get3A_64 = tpu.vector_load %arg6[%get3A_63] {strides = array<i32>} : memref<2576xi32, #tpu.memory_space<vmem>>, vector<16xi32>,
        %min3A_65 = arith.constant 99999 : i32
        %min3A_66 = vector.broadcast %min3A_65 : i32 to vector<16xi32>
        %min3A_67 = arith.minsi %get3A_64, %min3A_66 : vector<16xi32>
        %swap3A_68 = arith.constant 16 : index
        %swap3A_69 = tpu.vector_load %arg7[%swap3A_68] {strides = array<i32>} : memref<80xi32, #tpu.memory_space<vmem>>, vector<16xi32>,
        tpu.vector_store %arg7[%swap3A_68], %min3A_67 {strides = array<i32>} : memref<80xi32, #tpu.memory_space<vmem>>, vector<16xi32>,
        %add3A_70 = arith.constant 32 : i32
        %add3A_71 = arith.addi %mul3A_54, %add3A_70 : i32
        %get3A_72 = arith.index_cast %add3A_71 : i32 to index
        %get3A_73 = tpu.vector_load %arg6[%get3A_72] {strides = array<i32>} : memref<2576xi32, #tpu.memory_space<vmem>>, vector<16xi32>,
        %min3A_74 = arith.constant 99999 : i32
        %min3A_75 = vector.broadcast %min3A_74 : i32 to vector<16xi32>
        %min3A_76 = arith.minsi %get3A_73, %min3A_75 : vector<16xi32>
        %swap3A_77 = arith.constant 32 : index
        %swap3A_78 = tpu.vector_load %arg7[%swap3A_77] {strides = array<i32>} : memref<80xi32, #tpu.memory_space<vmem>>, vector<16xi32>,
        tpu.vector_store %arg7[%swap3A_77], %min3A_76 {strides = array<i32>} : memref<80xi32, #tpu.memory_space<vmem>>, vector<16xi32>,
        %add3A_79 = arith.constant 48 : i32
        %add3A_80 = arith.addi %mul3A_54, %add3A_79 : i32
        %get3A_81 = arith.index_cast %add3A_80 : i32 to index
        %get3A_82 = tpu.vector_load %arg6[%get3A_81] {strides = array<i32>} : memref<2576xi32, #tpu.memory_space<vmem>>, vector<16xi32>,
        %min3A_83 = arith.constant 99999 : i32
        %min3A_84 = vector.broadcast %min3A_83 : i32 to vector<16xi32>
        %min3A_85 = arith.minsi %get3A_82, %min3A_84 : vector<16xi32>
        %swap3A_86 = arith.constant 48 : index
        %swap3A_87 = tpu.vector_load %arg7[%swap3A_86] {strides = array<i32>} : memref<80xi32, #tpu.memory_space<vmem>>, vector<16xi32>,
        tpu.vector_store %arg7[%swap3A_86], %min3A_85 {strides = array<i32>} : memref<80xi32, #tpu.memory_space<vmem>>, vector<16xi32>,
        %add3A_88 = arith.constant 64 : i32
        %add3A_89 = arith.addi %mul3A_54, %add3A_88 : i32
        %get3A_90 = arith.index_cast %add3A_89 : i32 to index
        %get3A_91 = tpu.vector_load %arg6[%get3A_90] {strides = array<i32>} : memref<2576xi32, #tpu.memory_space<vmem>>, vector<16xi32>,
        %min3A_92 = arith.constant 99999 : i32
        %min3A_93 = vector.broadcast %min3A_92 : i32 to vector<16xi32>
        %min3A_94 = arith.minsi %get3A_91, %min3A_93 : vector<16xi32>
        %swap3A_95 = arith.constant 64 : index
        %swap3A_96 = tpu.vector_load %arg7[%swap3A_95] {strides = array<i32>} : memref<80xi32, #tpu.memory_space<vmem>>, vector<16xi32>,
        tpu.vector_store %arg7[%swap3A_95], %min3A_94 {strides = array<i32>} : memref<80xi32, #tpu.memory_space<vmem>>, vector<16xi32>,
        %ge3A = arith.constant 2 : i32
        %ge3A_97 = arith.cmpi sge, %scan3A_40, %ge3A : i32
        %convert_element_type3A_98 = arith.extui %ge3A_97 : i1 to i32
        %cond3A_99 = arith.constant 0 : i32
        %cond3A_100 = arith.cmpi ne, %convert_element_type3A_98, %cond3A_99 : i32
        scf.if %cond3A_100 {
          %sub3A = arith.constant 2 : i32
          %sub3A_266 = arith.subi %scan3A_40, %sub3A : i32
          %mul3A_267 = arith.constant 80 : i32
          %mul3A_268 = arith.muli %sub3A_266, %mul3A_267 : i32
          %add3A_269 = arith.addi %mul3A_2, %mul3A_268 : i32
          %dma_wait3A_270 = arith.constant 0 : i32
          %dma_wait3A_271 = tpu.memref_slice %arg5[%add3A_269, %dma_wait3A_270] : memref<81920x304xf32, #tpu.memory_space<hbm>> -> memref<80x304xf32, #tpu.memory_space<hbm>>
          %dma_wait3A_272 = arith.constant 0 : i32
          %dma_wait3A_273 = tpu.memref_slice %arg5[%add3A_269, %dma_wait3A_272] : memref<81920x304xf32, #tpu.memory_space<hbm>> -> memref<80x304xf32, #tpu.memory_space<hbm>>
          tpu.wait_dma2 semaphore(%arg14 : memref<!tpu.dma_semaphore, #tpu.memory_space<semaphore_mem>>) src(%arg11 : memref<80x304xf32, #tpu.memory_space<vmem>>) dst(%dma_wait3A_273 : memref<80x304xf32, #tpu.memory_space<hbm>>)
        } else {
        }
        %dma_start3A_101 = arith.constant 0 : i32
        %dma_start3A_102 = arith.constant 0 : i32
        %dma_start3A_103 = tpu.memref_slice %arg11[%dma_start3A_101, %dma_start3A_102] : memref<80x304xf32, #tpu.memory_space<vmem>> -> memref<16x256xf32, #tpu.memory_space<vmem>>
        %dma_start3A_104 = arith.constant 0 : i32
        %dma_start3A_105 = tpu.memref_slice %arg7[%dma_start3A_104] : memref<80xi32, #tpu.memory_space<vmem>> -> memref<16xi32, #tpu.memory_space<vmem>>
        %dma_start3A_106 = arith.constant 0 : i32
        %dma_start3A_107 = arith.constant 0 : i32
        %dma_start3A_108 = tpu.memref_slice %arg2[%dma_start3A_106, %dma_start3A_107] : memref<100000x300xf32, #tpu.memory_space<hbm>> -> memref<100000x256xf32, #tpu.memory_space<hbm>>
        tpu.enqueue_indirect_dma source(%dma_start3A_108 : memref<100000x256xf32, #tpu.memory_space<hbm>>) target(%dma_start3A_103 : memref<16x256xf32, #tpu.memory_space<vmem>>) offsets(%dma_start3A_105 : memref<16xi32, #tpu.memory_space<vmem>>) semaphore(%arg13 : memref<!tpu.dma_semaphore, #tpu.memory_space<semaphore_mem>>)
        %dma_start3A_109 = arith.constant 0 : i32
        %dma_start3A_110 = arith.constant 0 : i32
        %dma_start3A_111 = tpu.memref_slice %arg9[%dma_start3A_109, %dma_start3A_110] : memref<80x128xf32, #tpu.memory_space<vmem>> -> memref<16x128xf32, #tpu.memory_space<vmem>>
        %dma_start3A_112 = arith.constant 0 : i32
        %dma_start3A_113 = tpu.memref_slice %arg7[%dma_start3A_112] : memref<80xi32, #tpu.memory_space<vmem>> -> memref<16xi32, #tpu.memory_space<vmem>>
        %dma_start3A_114 = arith.constant 0 : i32
        %dma_start3A_115 = arith.constant 0 : i32
        %dma_start3A_116 = tpu.memref_slice %arg3[%dma_start3A_114, %dma_start3A_115] : memref<100000x128xf32, #tpu.memory_space<hbm>> -> memref<100000x128xf32, #tpu.memory_space<hbm>>
        tpu.enqueue_indirect_dma source(%dma_start3A_116 : memref<100000x128xf32, #tpu.memory_space<hbm>>) target(%dma_start3A_111 : memref<16x128xf32, #tpu.memory_space<vmem>>) offsets(%dma_start3A_113 : memref<16xi32, #tpu.memory_space<vmem>>) semaphore(%arg13 : memref<!tpu.dma_semaphore, #tpu.memory_space<semaphore_mem>>)
        %dma_start3A_117 = arith.constant 16 : i32
        %dma_start3A_118 = arith.constant 0 : i32
        %dma_start3A_119 = tpu.memref_slice %arg11[%dma_start3A_117, %dma_start3A_118] : memref<80x304xf32, #tpu.memory_space<vmem>> -> memref<16x256xf32, #tpu.memory_space<vmem>>
        %dma_start3A_120 = arith.constant 16 : i32
        %dma_start3A_121 = tpu.memref_slice %arg7[%dma_start3A_120] : memref<80xi32, #tpu.memory_space<vmem>> -> memref<16xi32, #tpu.memory_space<vmem>>
        %dma_start3A_122 = arith.constant 0 : i32
        %dma_start3A_123 = arith.constant 0 : i32
        %dma_start3A_124 = tpu.memref_slice %arg2[%dma_start3A_122, %dma_start3A_123] : memref<100000x300xf32, #tpu.memory_space<hbm>> -> memref<100000x256xf32, #tpu.memory_space<hbm>>
        tpu.enqueue_indirect_dma source(%dma_start3A_124 : memref<100000x256xf32, #tpu.memory_space<hbm>>) target(%dma_start3A_119 : memref<16x256xf32, #tpu.memory_space<vmem>>) offsets(%dma_start3A_121 : memref<16xi32, #tpu.memory_space<vmem>>) semaphore(%arg13 : memref<!tpu.dma_semaphore, #tpu.memory_space<semaphore_mem>>)
        %dma_start3A_125 = arith.constant 16 : i32
        %dma_start3A_126 = arith.constant 0 : i32
        %dma_start3A_127 = tpu.memref_slice %arg9[%dma_start3A_125, %dma_start3A_126] : memref<80x128xf32, #tpu.memory_space<vmem>> -> memref<16x128xf32, #tpu.memory_space<vmem>>
        %dma_start3A_128 = arith.constant 16 : i32
        %dma_start3A_129 = tpu.memref_slice %arg7[%dma_start3A_128] : memref<80xi32, #tpu.memory_space<vmem>> -> memref<16xi32, #tpu.memory_space<vmem>>
        %dma_start3A_130 = arith.constant 0 : i32
        %dma_start3A_131 = arith.constant 0 : i32
        %dma_start3A_132 = tpu.memref_slice %arg3[%dma_start3A_130, %dma_start3A_131] : memref<100000x128xf32, #tpu.memory_space<hbm>> -> memref<100000x128xf32, #tpu.memory_space<hbm>>
        tpu.enqueue_indirect_dma source(%dma_start3A_132 : memref<100000x128xf32, #tpu.memory_space<hbm>>) target(%dma_start3A_127 : memref<16x128xf32, #tpu.memory_space<vmem>>) offsets(%dma_start3A_129 : memref<16xi32, #tpu.memory_space<vmem>>) semaphore(%arg13 : memref<!tpu.dma_semaphore, #tpu.memory_space<semaphore_mem>>)
        %dma_start3A_133 = arith.constant 32 : i32
        %dma_start3A_134 = arith.constant 0 : i32
        %dma_start3A_135 = tpu.memref_slice %arg11[%dma_start3A_133, %dma_start3A_134] : memref<80x304xf32, #tpu.memory_space<vmem>> -> memref<16x256xf32, #tpu.memory_space<vmem>>
        %dma_start3A_136 = arith.constant 32 : i32
        %dma_start3A_137 = tpu.memref_slice %arg7[%dma_start3A_136] : memref<80xi32, #tpu.memory_space<vmem>> -> memref<16xi32, #tpu.memory_space<vmem>>
        %dma_start3A_138 = arith.constant 0 : i32
        %dma_start3A_139 = arith.constant 0 : i32
        %dma_start3A_140 = tpu.memref_slice %arg2[%dma_start3A_138, %dma_start3A_139] : memref<100000x300xf32, #tpu.memory_space<hbm>> -> memref<100000x256xf32, #tpu.memory_space<hbm>>
        tpu.enqueue_indirect_dma source(%dma_start3A_140 : memref<100000x256xf32, #tpu.memory_space<hbm>>) target(%dma_start3A_135 : memref<16x256xf32, #tpu.memory_space<vmem>>) offsets(%dma_start3A_137 : memref<16xi32, #tpu.memory_space<vmem>>) semaphore(%arg13 : memref<!tpu.dma_semaphore, #tpu.memory_space<semaphore_mem>>)
        %dma_start3A_141 = arith.constant 32 : i32
        %dma_start3A_142 = arith.constant 0 : i32
        %dma_start3A_143 = tpu.memref_slice %arg9[%dma_start3A_141, %dma_start3A_142] : memref<80x128xf32, #tpu.memory_space<vmem>> -> memref<16x128xf32, #tpu.memory_space<vmem>>
        %dma_start3A_144 = arith.constant 32 : i32
        %dma_start3A_145 = tpu.memref_slice %arg7[%dma_start3A_144] : memref<80xi32, #tpu.memory_space<vmem>> -> memref<16xi32, #tpu.memory_space<vmem>>
        %dma_start3A_146 = arith.constant 0 : i32
        %dma_start3A_147 = arith.constant 0 : i32
        %dma_start3A_148 = tpu.memref_slice %arg3[%dma_start3A_146, %dma_start3A_147] : memref<100000x128xf32, #tpu.memory_space<hbm>> -> memref<100000x128xf32, #tpu.memory_space<hbm>>
        tpu.enqueue_indirect_dma source(%dma_start3A_148 : memref<100000x128xf32, #tpu.memory_space<hbm>>) target(%dma_start3A_143 : memref<16x128xf32, #tpu.memory_space<vmem>>) offsets(%dma_start3A_145 : memref<16xi32, #tpu.memory_space<vmem>>) semaphore(%arg13 : memref<!tpu.dma_semaphore, #tpu.memory_space<semaphore_mem>>)
        %dma_start3A_149 = arith.constant 48 : i32
        %dma_start3A_150 = arith.constant 0 : i32
        %dma_start3A_151 = tpu.memref_slice %arg11[%dma_start3A_149, %dma_start3A_150] : memref<80x304xf32, #tpu.memory_space<vmem>> -> memref<16x256xf32, #tpu.memory_space<vmem>>
        %dma_start3A_152 = arith.constant 48 : i32
        %dma_start3A_153 = tpu.memref_slice %arg7[%dma_start3A_152] : memref<80xi32, #tpu.memory_space<vmem>> -> memref<16xi32, #tpu.memory_space<vmem>>
        %dma_start3A_154 = arith.constant 0 : i32
        %dma_start3A_155 = arith.constant 0 : i32
        %dma_start3A_156 = tpu.memref_slice %arg2[%dma_start3A_154, %dma_start3A_155] : memref<100000x300xf32, #tpu.memory_space<hbm>> -> memref<100000x256xf32, #tpu.memory_space<hbm>>
        tpu.enqueue_indirect_dma source(%dma_start3A_156 : memref<100000x256xf32, #tpu.memory_space<hbm>>) target(%dma_start3A_151 : memref<16x256xf32, #tpu.memory_space<vmem>>) offsets(%dma_start3A_153 : memref<16xi32, #tpu.memory_space<vmem>>) semaphore(%arg13 : memref<!tpu.dma_semaphore, #tpu.memory_space<semaphore_mem>>)
        %dma_start3A_157 = arith.constant 48 : i32
        %dma_start3A_158 = arith.constant 0 : i32
        %dma_start3A_159 = tpu.memref_slice %arg9[%dma_start3A_157, %dma_start3A_158] : memref<80x128xf32, #tpu.memory_space<vmem>> -> memref<16x128xf32, #tpu.memory_space<vmem>>
        %dma_start3A_160 = arith.constant 48 : i32
        %dma_start3A_161 = tpu.memref_slice %arg7[%dma_start3A_160] : memref<80xi32, #tpu.memory_space<vmem>> -> memref<16xi32, #tpu.memory_space<vmem>>
        %dma_start3A_162 = arith.constant 0 : i32
        %dma_start3A_163 = arith.constant 0 : i32
        %dma_start3A_164 = tpu.memref_slice %arg3[%dma_start3A_162, %dma_start3A_163] : memref<100000x128xf32, #tpu.memory_space<hbm>> -> memref<100000x128xf32, #tpu.memory_space<hbm>>
        tpu.enqueue_indirect_dma source(%dma_start3A_164 : memref<100000x128xf32, #tpu.memory_space<hbm>>) target(%dma_start3A_159 : memref<16x128xf32, #tpu.memory_space<vmem>>) offsets(%dma_start3A_161 : memref<16xi32, #tpu.memory_space<vmem>>) semaphore(%arg13 : memref<!tpu.dma_semaphore, #tpu.memory_space<semaphore_mem>>)
        %dma_start3A_165 = arith.constant 64 : i32
        %dma_start3A_166 = arith.constant 0 : i32
        %dma_start3A_167 = tpu.memref_slice %arg11[%dma_start3A_165, %dma_start3A_166] : memref<80x304xf32, #tpu.memory_space<vmem>> -> memref<16x256xf32, #tpu.memory_space<vmem>>
        %dma_start3A_168 = arith.constant 64 : i32
        %dma_start3A_169 = tpu.memref_slice %arg7[%dma_start3A_168] : memref<80xi32, #tpu.memory_space<vmem>> -> memref<16xi32, #tpu.memory_space<vmem>>
        %dma_start3A_170 = arith.constant 0 : i32
        %dma_start3A_171 = arith.constant 0 : i32
        %dma_start3A_172 = tpu.memref_slice %arg2[%dma_start3A_170, %dma_start3A_171] : memref<100000x300xf32, #tpu.memory_space<hbm>> -> memref<100000x256xf32, #tpu.memory_space<hbm>>
        tpu.enqueue_indirect_dma source(%dma_start3A_172 : memref<100000x256xf32, #tpu.memory_space<hbm>>) target(%dma_start3A_167 : memref<16x256xf32, #tpu.memory_space<vmem>>) offsets(%dma_start3A_169 : memref<16xi32, #tpu.memory_space<vmem>>) semaphore(%arg13 : memref<!tpu.dma_semaphore, #tpu.memory_space<semaphore_mem>>)
        %dma_start3A_173 = arith.constant 64 : i32
        %dma_start3A_174 = arith.constant 0 : i32
        %dma_start3A_175 = tpu.memref_slice %arg9[%dma_start3A_173, %dma_start3A_174] : memref<80x128xf32, #tpu.memory_space<vmem>> -> memref<16x128xf32, #tpu.memory_space<vmem>>
        %dma_start3A_176 = arith.constant 64 : i32
        %dma_start3A_177 = tpu.memref_slice %arg7[%dma_start3A_176] : memref<80xi32, #tpu.memory_space<vmem>> -> memref<16xi32, #tpu.memory_space<vmem>>
        %dma_start3A_178 = arith.constant 0 : i32
        %dma_start3A_179 = arith.constant 0 : i32
        %dma_start3A_180 = tpu.memref_slice %arg3[%dma_start3A_178, %dma_start3A_179] : memref<100000x128xf32, #tpu.memory_space<hbm>> -> memref<100000x128xf32, #tpu.memory_space<hbm>>
        tpu.enqueue_indirect_dma source(%dma_start3A_180 : memref<100000x128xf32, #tpu.memory_space<hbm>>) target(%dma_start3A_175 : memref<16x128xf32, #tpu.memory_space<vmem>>) offsets(%dma_start3A_177 : memref<16xi32, #tpu.memory_space<vmem>>) semaphore(%arg13 : memref<!tpu.dma_semaphore, #tpu.memory_space<semaphore_mem>>)
        %ge3A_181 = arith.constant 1 : i32
        %ge3A_182 = arith.cmpi sge, %scan3A_40, %ge3A_181 : i32
        %convert_element_type3A_183 = arith.extui %ge3A_182 : i1 to i32
        %cond3A_184 = arith.constant 0 : i32
        %cond3A_185 = arith.cmpi ne, %convert_element_type3A_183, %cond3A_184 : i32
        scf.if %cond3A_185 {
          %sub3A = arith.constant 1 : i32
          %sub3A_266 = arith.subi %scan3A_40, %sub3A : i32
          %mul3A_267 = arith.constant 80 : i32
          %mul3A_268 = arith.muli %sub3A_266, %mul3A_267 : i32
          %scan3A_269 = arith.constant 0 : i32
          %scan3A_270 = arith.constant 0 : i32
          %scan3A_271 = arith.constant 80 : i32
          %scan3A_272 = arith.addi %scan3A_270, %scan3A_271 : i32
          %scan3A_273 = arith.constant 1 : i32
          %scan3A_274 = scf.for %scan3A_292 = %scan3A_270 to %scan3A_272 step %scan3A_273 iter_args(%scan3A_293 = %scan3A_269) -> (i32)  : i32 {
            %get3A_294 = arith.index_cast %scan3A_292 : i32 to index
            %get3A_295 = arith.constant 0 : index
            %get3A_296 = tpu.vector_load %arg10[%get3A_294, %get3A_295] {strides = array<i32>} : memref<80x128xf32, #tpu.memory_space<vmem>>, vector<16xf32>,
            %swap3A_297 = arith.index_cast %scan3A_292 : i32 to index
            %swap3A_298 = arith.constant 256 : index
            %swap3A_299 = tpu.vector_load %arg12[%swap3A_297, %swap3A_298] {strides = array<i32>} : memref<80x304xf32, #tpu.memory_space<vmem>>, vector<16xf32>,
            tpu.vector_store %arg12[%swap3A_297, %swap3A_298], %get3A_296 {strides = array<i32>} : memref<80x304xf32, #tpu.memory_space<vmem>>, vector<16xf32>,
            %get3A_300 = arith.index_cast %scan3A_292 : i32 to index
            %get3A_301 = arith.constant 16 : index
            %get3A_302 = tpu.vector_load %arg10[%get3A_300, %get3A_301] {strides = array<i32>} : memref<80x128xf32, #tpu.memory_space<vmem>>, vector<16xf32>,
            %swap3A_303 = arith.index_cast %scan3A_292 : i32 to index
            %swap3A_304 = arith.constant 272 : index
            %swap3A_305 = tpu.vector_load %arg12[%swap3A_303, %swap3A_304] {strides = array<i32>} : memref<80x304xf32, #tpu.memory_space<vmem>>, vector<16xf32>,
            tpu.vector_store %arg12[%swap3A_303, %swap3A_304], %get3A_302 {strides = array<i32>} : memref<80x304xf32, #tpu.memory_space<vmem>>, vector<16xf32>,
            %get3A_306 = arith.index_cast %scan3A_292 : i32 to index
            %get3A_307 = arith.constant 32 : index
            %get3A_308 = tpu.vector_load %arg10[%get3A_306, %get3A_307] {strides = array<i32>} : memref<80x128xf32, #tpu.memory_space<vmem>>, vector<16xf32>,
            %swap3A_309 = arith.index_cast %scan3A_292 : i32 to index
            %swap3A_310 = arith.constant 288 : index
            %swap3A_311 = tpu.vector_load %arg12[%swap3A_309, %swap3A_310] {strides = array<i32>} : memref<80x304xf32, #tpu.memory_space<vmem>>, vector<16xf32>,
            tpu.vector_store %arg12[%swap3A_309, %swap3A_310], %get3A_308 {strides = array<i32>} : memref<80x304xf32, #tpu.memory_space<vmem>>, vector<16xf32>,
            %scan3A_312 = arith.constant 0 : i32
            scf.yield %scan3A_312 : i32
          }
          %scan3A_275 = arith.constant 80 : i32
          %scan3A_276 = arith.constant 0 : i32
          %scan3A_277 = arith.constant 0 : i32
          %scan3A_278 = arith.constant 5 : i32
          %scan3A_279 = arith.addi %scan3A_277, %scan3A_278 : i32
          %scan3A_280 = arith.constant 1 : i32
          %scan3A_281 = scf.for %scan3A_292 = %scan3A_277 to %scan3A_279 step %scan3A_280 iter_args(%scan3A_293 = %scan3A_276) -> (i32)  : i32 {
            %mul3A_294 = arith.constant 16 : i32
            %mul3A_295 = arith.muli %scan3A_292, %mul3A_294 : i32
            %add3A_296 = arith.addi %mul3A_268, %mul3A_295 : i32
            %get3A_297 = arith.index_cast %add3A_296 : i32 to index
            %get3A_298 = tpu.vector_load %arg6[%get3A_297] {strides = array<i32>} : memref<2576xi32, #tpu.memory_space<vmem>>, vector<16xi32>,
            %ge3A_299 = arith.constant 100000 : i32
            %ge3A_300 = vector.broadcast %ge3A_299 : i32 to vector<16xi32>
            %ge3A_301 = arith.cmpi sge, %get3A_298, %ge3A_300 : vector<16xi32>
            %all_reduce_population_count3A = tpu.all_reduce %ge3A_301 {dim = 0 : i64, kind = #tpu.reduction_kind<sum>} : vector<16xi1> -> vector<16xi32>
            %slice3A = vector.extract_strided_slice %all_reduce_population_count3A {offsets = [0], sizes = [1], strides = [1]} : vector<16xi32> to vector<1xi32>
            %squeeze3A = vector.extract %slice3A[0] : i32 from vector<1xi32>
            %gt3A = arith.constant 0 : i32
            %gt3A_302 = arith.cmpi sgt, %squeeze3A, %gt3A : i32
            %convert_element_type3A_303 = arith.extui %gt3A_302 : i1 to i32
            %cond3A_304 = arith.constant 0 : i32
            %cond3A_305 = arith.cmpi ne, %convert_element_type3A_303, %cond3A_304 : i32
            scf.if %cond3A_305 {
              %scan3A_307 = arith.constant 0 : i32
              %scan3A_308 = arith.constant 0 : i32
              %scan3A_309 = arith.constant 16 : i32
              %scan3A_310 = arith.addi %scan3A_308, %scan3A_309 : i32
              %scan3A_311 = arith.constant 1 : i32
              %scan3A_312 = scf.for %scan3A_314 = %scan3A_308 to %scan3A_310 step %scan3A_311 iter_args(%scan3A_315 = %scan3A_307) -> (i32)  : i32 {
                %mul3A_316 = arith.constant 16 : i32
                %mul3A_317 = arith.muli %scan3A_292, %mul3A_316 : i32
                %add3A_318 = arith.addi %mul3A_268, %mul3A_317 : i32
                %add3A_319 = arith.addi %add3A_318, %scan3A_314 : i32
                %get3A_320 = arith.index_cast %add3A_319 : i32 to index
                %get3A_321 = tpu.vector_load %arg6[%get3A_320] {strides = array<i32>} : memref<2576xi32, #tpu.memory_space<vmem>>, vector<16xi32>,
                %slice3A_322 = vector.extract_strided_slice %get3A_321 {offsets = [0], sizes = [1], strides = [1]} : vector<16xi32> to vector<1xi32>
                %squeeze3A_323 = vector.extract %slice3A_322[0] : i32 from vector<1xi32>
                %ge3A_324 = arith.constant 100000 : i32
                %ge3A_325 = arith.cmpi sge, %squeeze3A_323, %ge3A_324 : i32
                %convert_element_type3A_326 = arith.extui %ge3A_325 : i1 to i32
                %cond3A_327 = arith.constant 0 : i32
                %cond3A_328 = arith.cmpi ne, %convert_element_type3A_326, %cond3A_327 : i32
                scf.if %cond3A_328 {
                  %mul3A_330 = arith.constant 16 : i32
                  %mul3A_331 = arith.muli %scan3A_292, %mul3A_330 : i32
                  %add3A_332 = arith.addi %mul3A_331, %scan3A_314 : i32
                  %swap3A_333 = arith.index_cast %add3A_332 : i32 to index
                  %swap3A_334 = arith.constant 0 : index
                  %swap3A_335 = tpu.vector_load %arg12[%swap3A_333, %swap3A_334] {strides = array<i32>} : memref<80x304xf32, #tpu.memory_space<vmem>>, vector<16xf32>,
                  tpu.vector_store %arg12[%swap3A_333, %swap3A_334], %broadcast_in_dim3A_3 {strides = array<i32>} : memref<80x304xf32, #tpu.memory_space<vmem>>, vector<16xf32>,
                  %mul3A_336 = arith.constant 16 : i32
                  %mul3A_337 = arith.muli %scan3A_292, %mul3A_336 : i32
                  %add3A_338 = arith.addi %mul3A_337, %scan3A_314 : i32
                  %swap3A_339 = arith.index_cast %add3A_338 : i32 to index
                  %swap3A_340 = arith.constant 16 : index
                  %swap3A_341 = tpu.vector_load %arg12[%swap3A_339, %swap3A_340] {strides = array<i32>} : memref<80x304xf32, #tpu.memory_space<vmem>>, vector<16xf32>,
                  tpu.vector_store %arg12[%swap3A_339, %swap3A_340], %broadcast_in_dim3A_3 {strides = array<i32>} : memref<80x304xf32, #tpu.memory_space<vmem>>, vector<16xf32>,
                  %mul3A_342 = arith.constant 16 : i32
                  %mul3A_343 = arith.muli %scan3A_292, %mul3A_342 : i32
                  %add3A_344 = arith.addi %mul3A_343, %scan3A_314 : i32
                  %swap3A_345 = arith.index_cast %add3A_344 : i32 to index
                  %swap3A_346 = arith.constant 32 : index
                  %swap3A_347 = tpu.vector_load %arg12[%swap3A_345, %swap3A_346] {strides = array<i32>} : memref<80x304xf32, #tpu.memory_space<vmem>>, vector<16xf32>,
                  tpu.vector_store %arg12[%swap3A_345, %swap3A_346], %broadcast_in_dim3A_3 {strides = array<i32>} : memref<80x304xf32, #tpu.memory_space<vmem>>, vector<16xf32>,
                  %mul3A_348 = arith.constant 16 : i32
                  %mul3A_349 = arith.muli %scan3A_292, %mul3A_348 : i32
                  %add3A_350 = arith.addi %mul3A_349, %scan3A_314 : i32
                  %swap3A_351 = arith.index_cast %add3A_350 : i32 to index
                  %swap3A_352 = arith.constant 48 : index
                  %swap3A_353 = tpu.vector_load %arg12[%swap3A_351, %swap3A_352] {strides = array<i32>} : memref<80x304xf32, #tpu.memory_space<vmem>>, vector<16xf32>,
                  tpu.vector_store %arg12[%swap3A_351, %swap3A_352], %broadcast_in_dim3A_3 {strides = array<i32>} : memref<80x304xf32, #tpu.memory_space<vmem>>, vector<16xf32>,
                  %mul3A_354 = arith.constant 16 : i32
                  %mul3A_355 = arith.muli %scan3A_292, %mul3A_354 : i32
                  %add3A_356 = arith.addi %mul3A_355, %scan3A_314 : i32
                  %swap3A_357 = arith.index_cast %add3A_356 : i32 to index
                  %swap3A_358 = arith.constant 64 : index
                  %swap3A_359 = tpu.vector_load %arg12[%swap3A_357, %swap3A_358] {strides = array<i32>} : memref<80x304xf32, #tpu.memory_space<vmem>>, vector<16xf32>,
                  tpu.vector_store %arg12[%swap3A_357, %swap3A_358], %broadcast_in_dim3A_3 {strides = array<i32>} : memref<80x304xf32, #tpu.memory_space<vmem>>, vector<16xf32>,
                  %mul3A_360 = arith.constant 16 : i32
                  %mul3A_361 = arith.muli %scan3A_292, %mul3A_360 : i32
                  %add3A_362 = arith.addi %mul3A_361, %scan3A_314 : i32
                  %swap3A_363 = arith.index_cast %add3A_362 : i32 to index
                  %swap3A_364 = arith.constant 80 : index
                  %swap3A_365 = tpu.vector_load %arg12[%swap3A_363, %swap3A_364] {strides = array<i32>} : memref<80x304xf32, #tpu.memory_space<vmem>>, vector<16xf32>,
                  tpu.vector_store %arg12[%swap3A_363, %swap3A_364], %broadcast_in_dim3A_3 {strides = array<i32>} : memref<80x304xf32, #tpu.memory_space<vmem>>, vector<16xf32>,
                  %mul3A_366 = arith.constant 16 : i32
                  %mul3A_367 = arith.muli %scan3A_292, %mul3A_366 : i32
                  %add3A_368 = arith.addi %mul3A_367, %scan3A_314 : i32
                  %swap3A_369 = arith.index_cast %add3A_368 : i32 to index
                  %swap3A_370 = arith.constant 96 : index
                  %swap3A_371 = tpu.vector_load %arg12[%swap3A_369, %swap3A_370] {strides = array<i32>} : memref<80x304xf32, #tpu.memory_space<vmem>>, vector<16xf32>,
                  tpu.vector_store %arg12[%swap3A_369, %swap3A_370], %broadcast_in_dim3A_3 {strides = array<i32>} : memref<80x304xf32, #tpu.memory_space<vmem>>, vector<16xf32>,
                  %mul3A_372 = arith.constant 16 : i32
                  %mul3A_373 = arith.muli %scan3A_292, %mul3A_372 : i32
                  %add3A_374 = arith.addi %mul3A_373, %scan3A_314 : i32
                  %swap3A_375 = arith.index_cast %add3A_374 : i32 to index
                  %swap3A_376 = arith.constant 112 : index
                  %swap3A_377 = tpu.vector_load %arg12[%swap3A_375, %swap3A_376] {strides = array<i32>} : memref<80x304xf32, #tpu.memory_space<vmem>>, vector<16xf32>,
                  tpu.vector_store %arg12[%swap3A_375, %swap3A_376], %broadcast_in_dim3A_3 {strides = array<i32>} : memref<80x304xf32, #tpu.memory_space<vmem>>, vector<16xf32>,
                  %mul3A_378 = arith.constant 16 : i32
                  %mul3A_379 = arith.muli %scan3A_292, %mul3A_378 : i32
                  %add3A_380 = arith.addi %mul3A_379, %scan3A_314 : i32
                  %swap3A_381 = arith.index_cast %add3A_380 : i32 to index
                  %swap3A_382 = arith.constant 128 : index
                  %swap3A_383 = tpu.vector_load %arg12[%swap3A_381, %swap3A_382] {strides = array<i32>} : memref<80x304xf32, #tpu.memory_space<vmem>>, vector<16xf32>,
                  tpu.vector_store %arg12[%swap3A_381, %swap3A_382], %broadcast_in_dim3A_3 {strides = array<i32>} : memref<80x304xf32, #tpu.memory_space<vmem>>, vector<16xf32>,
                  %mul3A_384 = arith.constant 16 : i32
                  %mul3A_385 = arith.muli %scan3A_292, %mul3A_384 : i32
                  %add3A_386 = arith.addi %mul3A_385, %scan3A_314 : i32
                  %swap3A_387 = arith.index_cast %add3A_386 : i32 to index
                  %swap3A_388 = arith.constant 144 : index
                  %swap3A_389 = tpu.vector_load %arg12[%swap3A_387, %swap3A_388] {strides = array<i32>} : memref<80x304xf32, #tpu.memory_space<vmem>>, vector<16xf32>,
                  tpu.vector_store %arg12[%swap3A_387, %swap3A_388], %broadcast_in_dim3A_3 {strides = array<i32>} : memref<80x304xf32, #tpu.memory_space<vmem>>, vector<16xf32>,
                  %mul3A_390 = arith.constant 16 : i32
                  %mul3A_391 = arith.muli %scan3A_292, %mul3A_390 : i32
                  %add3A_392 = arith.addi %mul3A_391, %scan3A_314 : i32
                  %swap3A_393 = arith.index_cast %add3A_392 : i32 to index
                  %swap3A_394 = arith.constant 160 : index
                  %swap3A_395 = tpu.vector_load %arg12[%swap3A_393, %swap3A_394] {strides = array<i32>} : memref<80x304xf32, #tpu.memory_space<vmem>>, vector<16xf32>,
                  tpu.vector_store %arg12[%swap3A_393, %swap3A_394], %broadcast_in_dim3A_3 {strides = array<i32>} : memref<80x304xf32, #tpu.memory_space<vmem>>, vector<16xf32>,
                  %mul3A_396 = arith.constant 16 : i32
                  %mul3A_397 = arith.muli %scan3A_292, %mul3A_396 : i32
                  %add3A_398 = arith.addi %mul3A_397, %scan3A_314 : i32
                  %swap3A_399 = arith.index_cast %add3A_398 : i32 to index
                  %swap3A_400 = arith.constant 176 : index
                  %swap3A_401 = tpu.vector_load %arg12[%swap3A_399, %swap3A_400] {strides = array<i32>} : memref<80x304xf32, #tpu.memory_space<vmem>>, vector<16xf32>,
                  tpu.vector_store %arg12[%swap3A_399, %swap3A_400], %broadcast_in_dim3A_3 {strides = array<i32>} : memref<80x304xf32, #tpu.memory_space<vmem>>, vector<16xf32>,
                  %mul3A_402 = arith.constant 16 : i32
                  %mul3A_403 = arith.muli %scan3A_292, %mul3A_402 : i32
                  %add3A_404 = arith.addi %mul3A_403, %scan3A_314 : i32
                  %swap3A_405 = arith.index_cast %add3A_404 : i32 to index
                  %swap3A_406 = arith.constant 192 : index
                  %swap3A_407 = tpu.vector_load %arg12[%swap3A_405, %swap3A_406] {strides = array<i32>} : memref<80x304xf32, #tpu.memory_space<vmem>>, vector<16xf32>,
                  tpu.vector_store %arg12[%swap3A_405, %swap3A_406], %broadcast_in_dim3A_3 {strides = array<i32>} : memref<80x304xf32, #tpu.memory_space<vmem>>, vector<16xf32>,
                  %mul3A_408 = arith.constant 16 : i32
                  %mul3A_409 = arith.muli %scan3A_292, %mul3A_408 : i32
                  %add3A_410 = arith.addi %mul3A_409, %scan3A_314 : i32
                  %swap3A_411 = arith.index_cast %add3A_410 : i32 to index
                  %swap3A_412 = arith.constant 208 : index
                  %swap3A_413 = tpu.vector_load %arg12[%swap3A_411, %swap3A_412] {strides = array<i32>} : memref<80x304xf32, #tpu.memory_space<vmem>>, vector<16xf32>,
                  tpu.vector_store %arg12[%swap3A_411, %swap3A_412], %broadcast_in_dim3A_3 {strides = array<i32>} : memref<80x304xf32, #tpu.memory_space<vmem>>, vector<16xf32>,
                  %mul3A_414 = arith.constant 16 : i32
                  %mul3A_415 = arith.muli %scan3A_292, %mul3A_414 : i32
                  %add3A_416 = arith.addi %mul3A_415, %scan3A_314 : i32
                  %swap3A_417 = arith.index_cast %add3A_416 : i32 to index
                  %swap3A_418 = arith.constant 224 : index
                  %swap3A_419 = tpu.vector_load %arg12[%swap3A_417, %swap3A_418] {strides = array<i32>} : memref<80x304xf32, #tpu.memory_space<vmem>>, vector<16xf32>,
                  tpu.vector_store %arg12[%swap3A_417, %swap3A_418], %broadcast_in_dim3A_3 {strides = array<i32>} : memref<80x304xf32, #tpu.memory_space<vmem>>, vector<16xf32>,
                  %mul3A_420 = arith.constant 16 : i32
                  %mul3A_421 = arith.muli %scan3A_292, %mul3A_420 : i32
                  %add3A_422 = arith.addi %mul3A_421, %scan3A_314 : i32
                  %swap3A_423 = arith.index_cast %add3A_422 : i32 to index
                  %swap3A_424 = arith.constant 240 : index
                  %swap3A_425 = tpu.vector_load %arg12[%swap3A_423, %swap3A_424] {strides = array<i32>} : memref<80x304xf32, #tpu.memory_space<vmem>>, vector<16xf32>,
                  tpu.vector_store %arg12[%swap3A_423, %swap3A_424], %broadcast_in_dim3A_3 {strides = array<i32>} : memref<80x304xf32, #tpu.memory_space<vmem>>, vector<16xf32>,
                  %mul3A_426 = arith.constant 16 : i32
                  %mul3A_427 = arith.muli %scan3A_292, %mul3A_426 : i32
                  %add3A_428 = arith.addi %mul3A_427, %scan3A_314 : i32
                  %swap3A_429 = arith.index_cast %add3A_428 : i32 to index
                  %swap3A_430 = arith.constant 256 : index
                  %swap3A_431 = tpu.vector_load %arg12[%swap3A_429, %swap3A_430] {strides = array<i32>} : memref<80x304xf32, #tpu.memory_space<vmem>>, vector<16xf32>,
                  tpu.vector_store %arg12[%swap3A_429, %swap3A_430], %broadcast_in_dim3A_3 {strides = array<i32>} : memref<80x304xf32, #tpu.memory_space<vmem>>, vector<16xf32>,
                  %mul3A_432 = arith.constant 16 : i32
                  %mul3A_433 = arith.muli %scan3A_292, %mul3A_432 : i32
                  %add3A_434 = arith.addi %mul3A_433, %scan3A_314 : i32
                  %swap3A_435 = arith.index_cast %add3A_434 : i32 to index
                  %swap3A_436 = arith.constant 272 : index
                  %swap3A_437 = tpu.vector_load %arg12[%swap3A_435, %swap3A_436] {strides = array<i32>} : memref<80x304xf32, #tpu.memory_space<vmem>>, vector<16xf32>,
                  tpu.vector_store %arg12[%swap3A_435, %swap3A_436], %broadcast_in_dim3A_3 {strides = array<i32>} : memref<80x304xf32, #tpu.memory_space<vmem>>, vector<16xf32>,
                  %mul3A_438 = arith.constant 16 : i32
                  %mul3A_439 = arith.muli %scan3A_292, %mul3A_438 : i32
                  %add3A_440 = arith.addi %mul3A_439, %scan3A_314 : i32
                  %swap3A_441 = arith.index_cast %add3A_440 : i32 to index
                  %swap3A_442 = arith.constant 288 : index
                  %swap3A_443 = tpu.vector_load %arg12[%swap3A_441, %swap3A_442] {strides = array<i32>} : memref<80x304xf32, #tpu.memory_space<vmem>>, vector<16xf32>,
                  tpu.vector_store %arg12[%swap3A_441, %swap3A_442], %broadcast_in_dim3A_3 {strides = array<i32>} : memref<80x304xf32, #tpu.memory_space<vmem>>, vector<16xf32>,
                } else {
                }
                %scan3A_329 = arith.constant 0 : i32
                scf.yield %scan3A_329 : i32
              }
              %scan3A_313 = arith.constant 16 : i32
            } else {
            }
            %scan3A_306 = arith.constant 0 : i32
            scf.yield %scan3A_306 : i32
          }
          %scan3A_282 = arith.constant 5 : i32
          %sub3A_283 = arith.constant 1 : i32
          %sub3A_284 = arith.subi %scan3A_40, %sub3A_283 : i32
          %mul3A_285 = arith.constant 80 : i32
          %mul3A_286 = arith.muli %sub3A_284, %mul3A_285 : i32
          %add3A_287 = arith.addi %mul3A_2, %mul3A_286 : i32
          %dma_start3A_288 = arith.constant 0 : i32
          %dma_start3A_289 = tpu.memref_slice %arg5[%add3A_287, %dma_start3A_288] : memref<81920x304xf32, #tpu.memory_space<hbm>> -> memref<80x304xf32, #tpu.memory_space<hbm>>
          %dma_start3A_290 = arith.constant 0 : i32
          %dma_start3A_291 = tpu.memref_slice %arg5[%add3A_287, %dma_start3A_290] : memref<81920x304xf32, #tpu.memory_space<hbm>> -> memref<80x304xf32, #tpu.memory_space<hbm>>
          tpu.enqueue_dma source(%arg12 : memref<80x304xf32, #tpu.memory_space<vmem>>) target(%dma_start3A_291 : memref<80x304xf32, #tpu.memory_space<hbm>>) target_semaphore(%arg15 : memref<!tpu.dma_semaphore, #tpu.memory_space<semaphore_mem>>)
        } else {
        }
        %dma_wait3A_186 = arith.constant 0 : i32
        %dma_wait3A_187 = arith.constant 0 : i32
        %dma_wait3A_188 = tpu.memref_slice %arg11[%dma_wait3A_186, %dma_wait3A_187] : memref<80x304xf32, #tpu.memory_space<vmem>> -> memref<16x256xf32, #tpu.memory_space<vmem>>
        %dma_wait3A_189 = arith.constant 0 : i32
        %dma_wait3A_190 = tpu.memref_slice %arg7[%dma_wait3A_189] : memref<80xi32, #tpu.memory_space<vmem>> -> memref<16xi32, #tpu.memory_space<vmem>>
        %dma_wait3A_191 = arith.constant 0 : i32
        %dma_wait3A_192 = arith.constant 0 : i32
        %dma_wait3A_193 = tpu.memref_slice %arg2[%dma_wait3A_191, %dma_wait3A_192] : memref<100000x300xf32, #tpu.memory_space<hbm>> -> memref<100000x256xf32, #tpu.memory_space<hbm>>
        tpu.wait_indirect_dma semaphore(%arg13 : memref<!tpu.dma_semaphore, #tpu.memory_space<semaphore_mem>>) src(%dma_wait3A_193 : memref<100000x256xf32, #tpu.memory_space<hbm>>) dst(%dma_wait3A_188 : memref<16x256xf32, #tpu.memory_space<vmem>>)
        %dma_wait3A_194 = arith.constant 0 : i32
        %dma_wait3A_195 = arith.constant 0 : i32
        %dma_wait3A_196 = tpu.memref_slice %arg9[%dma_wait3A_194, %dma_wait3A_195] : memref<80x128xf32, #tpu.memory_space<vmem>> -> memref<16x128xf32, #tpu.memory_space<vmem>>
        %dma_wait3A_197 = arith.constant 0 : i32
        %dma_wait3A_198 = tpu.memref_slice %arg7[%dma_wait3A_197] : memref<80xi32, #tpu.memory_space<vmem>> -> memref<16xi32, #tpu.memory_space<vmem>>
        %dma_wait3A_199 = arith.constant 0 : i32
        %dma_wait3A_200 = arith.constant 0 : i32
        %dma_wait3A_201 = tpu.memref_slice %arg3[%dma_wait3A_199, %dma_wait3A_200] : memref<100000x128xf32, #tpu.memory_space<hbm>> -> memref<100000x128xf32, #tpu.memory_space<hbm>>
        tpu.wait_indirect_dma semaphore(%arg13 : memref<!tpu.dma_semaphore, #tpu.memory_space<semaphore_mem>>) src(%dma_wait3A_201 : memref<100000x128xf32, #tpu.memory_space<hbm>>) dst(%dma_wait3A_196 : memref<16x128xf32, #tpu.memory_space<vmem>>)
        %dma_wait3A_202 = arith.constant 16 : i32
        %dma_wait3A_203 = arith.constant 0 : i32
        %dma_wait3A_204 = tpu.memref_slice %arg11[%dma_wait3A_202, %dma_wait3A_203] : memref<80x304xf32, #tpu.memory_space<vmem>> -> memref<16x256xf32, #tpu.memory_space<vmem>>
        %dma_wait3A_205 = arith.constant 16 : i32
        %dma_wait3A_206 = tpu.memref_slice %arg7[%dma_wait3A_205] : memref<80xi32, #tpu.memory_space<vmem>> -> memref<16xi32, #tpu.memory_space<vmem>>
        %dma_wait3A_207 = arith.constant 0 : i32
        %dma_wait3A_208 = arith.constant 0 : i32
        %dma_wait3A_209 = tpu.memref_slice %arg2[%dma_wait3A_207, %dma_wait3A_208] : memref<100000x300xf32, #tpu.memory_space<hbm>> -> memref<100000x256xf32, #tpu.memory_space<hbm>>
        tpu.wait_indirect_dma semaphore(%arg13 : memref<!tpu.dma_semaphore, #tpu.memory_space<semaphore_mem>>) src(%dma_wait3A_209 : memref<100000x256xf32, #tpu.memory_space<hbm>>) dst(%dma_wait3A_204 : memref<16x256xf32, #tpu.memory_space<vmem>>)
        %dma_wait3A_210 = arith.constant 16 : i32
        %dma_wait3A_211 = arith.constant 0 : i32
        %dma_wait3A_212 = tpu.memref_slice %arg9[%dma_wait3A_210, %dma_wait3A_211] : memref<80x128xf32, #tpu.memory_space<vmem>> -> memref<16x128xf32, #tpu.memory_space<vmem>>
        %dma_wait3A_213 = arith.constant 16 : i32
        %dma_wait3A_214 = tpu.memref_slice %arg7[%dma_wait3A_213] : memref<80xi32, #tpu.memory_space<vmem>> -> memref<16xi32, #tpu.memory_space<vmem>>
        %dma_wait3A_215 = arith.constant 0 : i32
        %dma_wait3A_216 = arith.constant 0 : i32
        %dma_wait3A_217 = tpu.memref_slice %arg3[%dma_wait3A_215, %dma_wait3A_216] : memref<100000x128xf32, #tpu.memory_space<hbm>> -> memref<100000x128xf32, #tpu.memory_space<hbm>>
        tpu.wait_indirect_dma semaphore(%arg13 : memref<!tpu.dma_semaphore, #tpu.memory_space<semaphore_mem>>) src(%dma_wait3A_217 : memref<100000x128xf32, #tpu.memory_space<hbm>>) dst(%dma_wait3A_212 : memref<16x128xf32, #tpu.memory_space<vmem>>)
        %dma_wait3A_218 = arith.constant 32 : i32
        %dma_wait3A_219 = arith.constant 0 : i32
        %dma_wait3A_220 = tpu.memref_slice %arg11[%dma_wait3A_218, %dma_wait3A_219] : memref<80x304xf32, #tpu.memory_space<vmem>> -> memref<16x256xf32, #tpu.memory_space<vmem>>
        %dma_wait3A_221 = arith.constant 32 : i32
        %dma_wait3A_222 = tpu.memref_slice %arg7[%dma_wait3A_221] : memref<80xi32, #tpu.memory_space<vmem>> -> memref<16xi32, #tpu.memory_space<vmem>>
        %dma_wait3A_223 = arith.constant 0 : i32
        %dma_wait3A_224 = arith.constant 0 : i32
        %dma_wait3A_225 = tpu.memref_slice %arg2[%dma_wait3A_223, %dma_wait3A_224] : memref<100000x300xf32, #tpu.memory_space<hbm>> -> memref<100000x256xf32, #tpu.memory_space<hbm>>
        tpu.wait_indirect_dma semaphore(%arg13 : memref<!tpu.dma_semaphore, #tpu.memory_space<semaphore_mem>>) src(%dma_wait3A_225 : memref<100000x256xf32, #tpu.memory_space<hbm>>) dst(%dma_wait3A_220 : memref<16x256xf32, #tpu.memory_space<vmem>>)
        %dma_wait3A_226 = arith.constant 32 : i32
        %dma_wait3A_227 = arith.constant 0 : i32
        %dma_wait3A_228 = tpu.memref_slice %arg9[%dma_wait3A_226, %dma_wait3A_227] : memref<80x128xf32, #tpu.memory_space<vmem>> -> memref<16x128xf32, #tpu.memory_space<vmem>>
        %dma_wait3A_229 = arith.constant 32 : i32
        %dma_wait3A_230 = tpu.memref_slice %arg7[%dma_wait3A_229] : memref<80xi32, #tpu.memory_space<vmem>> -> memref<16xi32, #tpu.memory_space<vmem>>
        %dma_wait3A_231 = arith.constant 0 : i32
        %dma_wait3A_232 = arith.constant 0 : i32
        %dma_wait3A_233 = tpu.memref_slice %arg3[%dma_wait3A_231, %dma_wait3A_232] : memref<100000x128xf32, #tpu.memory_space<hbm>> -> memref<100000x128xf32, #tpu.memory_space<hbm>>
        tpu.wait_indirect_dma semaphore(%arg13 : memref<!tpu.dma_semaphore, #tpu.memory_space<semaphore_mem>>) src(%dma_wait3A_233 : memref<100000x128xf32, #tpu.memory_space<hbm>>) dst(%dma_wait3A_228 : memref<16x128xf32, #tpu.memory_space<vmem>>)
        %dma_wait3A_234 = arith.constant 48 : i32
        %dma_wait3A_235 = arith.constant 0 : i32
        %dma_wait3A_236 = tpu.memref_slice %arg11[%dma_wait3A_234, %dma_wait3A_235] : memref<80x304xf32, #tpu.memory_space<vmem>> -> memref<16x256xf32, #tpu.memory_space<vmem>>
        %dma_wait3A_237 = arith.constant 48 : i32
        %dma_wait3A_238 = tpu.memref_slice %arg7[%dma_wait3A_237] : memref<80xi32, #tpu.memory_space<vmem>> -> memref<16xi32, #tpu.memory_space<vmem>>
        %dma_wait3A_239 = arith.constant 0 : i32
        %dma_wait3A_240 = arith.constant 0 : i32
        %dma_wait3A_241 = tpu.memref_slice %arg2[%dma_wait3A_239, %dma_wait3A_240] : memref<100000x300xf32, #tpu.memory_space<hbm>> -> memref<100000x256xf32, #tpu.memory_space<hbm>>
        tpu.wait_indirect_dma semaphore(%arg13 : memref<!tpu.dma_semaphore, #tpu.memory_space<semaphore_mem>>) src(%dma_wait3A_241 : memref<100000x256xf32, #tpu.memory_space<hbm>>) dst(%dma_wait3A_236 : memref<16x256xf32, #tpu.memory_space<vmem>>)
        %dma_wait3A_242 = arith.constant 48 : i32
        %dma_wait3A_243 = arith.constant 0 : i32
        %dma_wait3A_244 = tpu.memref_slice %arg9[%dma_wait3A_242, %dma_wait3A_243] : memref<80x128xf32, #tpu.memory_space<vmem>> -> memref<16x128xf32, #tpu.memory_space<vmem>>
        %dma_wait3A_245 = arith.constant 48 : i32
        %dma_wait3A_246 = tpu.memref_slice %arg7[%dma_wait3A_245] : memref<80xi32, #tpu.memory_space<vmem>> -> memref<16xi32, #tpu.memory_space<vmem>>
        %dma_wait3A_247 = arith.constant 0 : i32
        %dma_wait3A_248 = arith.constant 0 : i32
        %dma_wait3A_249 = tpu.memref_slice %arg3[%dma_wait3A_247, %dma_wait3A_248] : memref<100000x128xf32, #tpu.memory_space<hbm>> -> memref<100000x128xf32, #tpu.memory_space<hbm>>
        tpu.wait_indirect_dma semaphore(%arg13 : memref<!tpu.dma_semaphore, #tpu.memory_space<semaphore_mem>>) src(%dma_wait3A_249 : memref<100000x128xf32, #tpu.memory_space<hbm>>) dst(%dma_wait3A_244 : memref<16x128xf32, #tpu.memory_space<vmem>>)
        %dma_wait3A_250 = arith.constant 64 : i32
        %dma_wait3A_251 = arith.constant 0 : i32
        %dma_wait3A_252 = tpu.memref_slice %arg11[%dma_wait3A_250, %dma_wait3A_251] : memref<80x304xf32, #tpu.memory_space<vmem>> -> memref<16x256xf32, #tpu.memory_space<vmem>>
        %dma_wait3A_253 = arith.constant 64 : i32
        %dma_wait3A_254 = tpu.memref_slice %arg7[%dma_wait3A_253] : memref<80xi32, #tpu.memory_space<vmem>> -> memref<16xi32, #tpu.memory_space<vmem>>
        %dma_wait3A_255 = arith.constant 0 : i32
        %dma_wait3A_256 = arith.constant 0 : i32
        %dma_wait3A_257 = tpu.memref_slice %arg2[%dma_wait3A_255, %dma_wait3A_256] : memref<100000x300xf32, #tpu.memory_space<hbm>> -> memref<100000x256xf32, #tpu.memory_space<hbm>>
        tpu.wait_indirect_dma semaphore(%arg13 : memref<!tpu.dma_semaphore, #tpu.memory_space<semaphore_mem>>) src(%dma_wait3A_257 : memref<100000x256xf32, #tpu.memory_space<hbm>>) dst(%dma_wait3A_252 : memref<16x256xf32, #tpu.memory_space<vmem>>)
        %dma_wait3A_258 = arith.constant 64 : i32
        %dma_wait3A_259 = arith.constant 0 : i32
        %dma_wait3A_260 = tpu.memref_slice %arg9[%dma_wait3A_258, %dma_wait3A_259] : memref<80x128xf32, #tpu.memory_space<vmem>> -> memref<16x128xf32, #tpu.memory_space<vmem>>
        %dma_wait3A_261 = arith.constant 64 : i32
        %dma_wait3A_262 = tpu.memref_slice %arg7[%dma_wait3A_261] : memref<80xi32, #tpu.memory_space<vmem>> -> memref<16xi32, #tpu.memory_space<vmem>>
        %dma_wait3A_263 = arith.constant 0 : i32
        %dma_wait3A_264 = arith.constant 0 : i32
        %dma_wait3A_265 = tpu.memref_slice %arg3[%dma_wait3A_263, %dma_wait3A_264] : memref<100000x128xf32, #tpu.memory_space<hbm>> -> memref<100000x128xf32, #tpu.memory_space<hbm>>
        tpu.wait_indirect_dma semaphore(%arg13 : memref<!tpu.dma_semaphore, #tpu.memory_space<semaphore_mem>>) src(%dma_wait3A_265 : memref<100000x128xf32, #tpu.memory_space<hbm>>) dst(%dma_wait3A_260 : memref<16x128xf32, #tpu.memory_space<vmem>>)
      } else {
      }
      %and3A_45 = arith.constant 1 : i32
      %and3A_46 = arith.andi %scan3A_40, %and3A_45 : i32
      %eq3A_47 = arith.constant 1 : i32
      %eq3A_48 = arith.cmpi eq, %and3A_46, %eq3A_47 : i32
      %convert_element_type3A_49 = arith.extui %eq3A_48 : i1 to i32
      %cond3A_50 = arith.constant 0 : i32
      %cond3A_51 = arith.cmpi ne, %convert_element_type3A_49, %cond3A_50 : i32
      scf.if %cond3A_51 {
        %mul3A_53 = arith.constant 80 : i32
        %mul3A_54 = arith.muli %scan3A_40, %mul3A_53 : i32
        %add3A_55 = arith.constant 0 : i32
        %add3A_56 = arith.addi %mul3A_54, %add3A_55 : i32
        %get3A = arith.index_cast %add3A_56 : i32 to index
        %get3A_57 = tpu.vector_load %arg6[%get3A] {strides = array<i32>} : memref<2576xi32, #tpu.memory_space<vmem>>, vector<16xi32>,
        %min3A = arith.constant 99999 : i32
        %min3A_58 = vector.broadcast %min3A : i32 to vector<16xi32>
        %min3A_59 = arith.minsi %get3A_57, %min3A_58 : vector<16xi32>
        %swap3A = arith.constant 0 : index
        %swap3A_60 = tpu.vector_load %arg8[%swap3A] {strides = array<i32>} : memref<80xi32, #tpu.memory_space<vmem>>, vector<16xi32>,
        tpu.vector_store %arg8[%swap3A], %min3A_59 {strides = array<i32>} : memref<80xi32, #tpu.memory_space<vmem>>, vector<16xi32>,
        %add3A_61 = arith.constant 16 : i32
        %add3A_62 = arith.addi %mul3A_54, %add3A_61 : i32
        %get3A_63 = arith.index_cast %add3A_62 : i32 to index
        %get3A_64 = tpu.vector_load %arg6[%get3A_63] {strides = array<i32>} : memref<2576xi32, #tpu.memory_space<vmem>>, vector<16xi32>,
        %min3A_65 = arith.constant 99999 : i32
        %min3A_66 = vector.broadcast %min3A_65 : i32 to vector<16xi32>
        %min3A_67 = arith.minsi %get3A_64, %min3A_66 : vector<16xi32>
        %swap3A_68 = arith.constant 16 : index
        %swap3A_69 = tpu.vector_load %arg8[%swap3A_68] {strides = array<i32>} : memref<80xi32, #tpu.memory_space<vmem>>, vector<16xi32>,
        tpu.vector_store %arg8[%swap3A_68], %min3A_67 {strides = array<i32>} : memref<80xi32, #tpu.memory_space<vmem>>, vector<16xi32>,
        %add3A_70 = arith.constant 32 : i32
        %add3A_71 = arith.addi %mul3A_54, %add3A_70 : i32
        %get3A_72 = arith.index_cast %add3A_71 : i32 to index
        %get3A_73 = tpu.vector_load %arg6[%get3A_72] {strides = array<i32>} : memref<2576xi32, #tpu.memory_space<vmem>>, vector<16xi32>,
        %min3A_74 = arith.constant 99999 : i32
        %min3A_75 = vector.broadcast %min3A_74 : i32 to vector<16xi32>
        %min3A_76 = arith.minsi %get3A_73, %min3A_75 : vector<16xi32>
        %swap3A_77 = arith.constant 32 : index
        %swap3A_78 = tpu.vector_load %arg8[%swap3A_77] {strides = array<i32>} : memref<80xi32, #tpu.memory_space<vmem>>, vector<16xi32>,
        tpu.vector_store %arg8[%swap3A_77], %min3A_76 {strides = array<i32>} : memref<80xi32, #tpu.memory_space<vmem>>, vector<16xi32>,
        %add3A_79 = arith.constant 48 : i32
        %add3A_80 = arith.addi %mul3A_54, %add3A_79 : i32
        %get3A_81 = arith.index_cast %add3A_80 : i32 to index
        %get3A_82 = tpu.vector_load %arg6[%get3A_81] {strides = array<i32>} : memref<2576xi32, #tpu.memory_space<vmem>>, vector<16xi32>,
        %min3A_83 = arith.constant 99999 : i32
        %min3A_84 = vector.broadcast %min3A_83 : i32 to vector<16xi32>
        %min3A_85 = arith.minsi %get3A_82, %min3A_84 : vector<16xi32>
        %swap3A_86 = arith.constant 48 : index
        %swap3A_87 = tpu.vector_load %arg8[%swap3A_86] {strides = array<i32>} : memref<80xi32, #tpu.memory_space<vmem>>, vector<16xi32>,
        tpu.vector_store %arg8[%swap3A_86], %min3A_85 {strides = array<i32>} : memref<80xi32, #tpu.memory_space<vmem>>, vector<16xi32>,
        %add3A_88 = arith.constant 64 : i32
        %add3A_89 = arith.addi %mul3A_54, %add3A_88 : i32
        %get3A_90 = arith.index_cast %add3A_89 : i32 to index
        %get3A_91 = tpu.vector_load %arg6[%get3A_90] {strides = array<i32>} : memref<2576xi32, #tpu.memory_space<vmem>>, vector<16xi32>,
        %min3A_92 = arith.constant 99999 : i32
        %min3A_93 = vector.broadcast %min3A_92 : i32 to vector<16xi32>
        %min3A_94 = arith.minsi %get3A_91, %min3A_93 : vector<16xi32>
        %swap3A_95 = arith.constant 64 : index
        %swap3A_96 = tpu.vector_load %arg8[%swap3A_95] {strides = array<i32>} : memref<80xi32, #tpu.memory_space<vmem>>, vector<16xi32>,
        tpu.vector_store %arg8[%swap3A_95], %min3A_94 {strides = array<i32>} : memref<80xi32, #tpu.memory_space<vmem>>, vector<16xi32>,
        %ge3A = arith.constant 2 : i32
        %ge3A_97 = arith.cmpi sge, %scan3A_40, %ge3A : i32
        %convert_element_type3A_98 = arith.extui %ge3A_97 : i1 to i32
        %cond3A_99 = arith.constant 0 : i32
        %cond3A_100 = arith.cmpi ne, %convert_element_type3A_98, %cond3A_99 : i32
        scf.if %cond3A_100 {
          %sub3A = arith.constant 2 : i32
          %sub3A_266 = arith.subi %scan3A_40, %sub3A : i32
          %mul3A_267 = arith.constant 80 : i32
          %mul3A_268 = arith.muli %sub3A_266, %mul3A_267 : i32
          %add3A_269 = arith.addi %mul3A_2, %mul3A_268 : i32
          %dma_wait3A_270 = arith.constant 0 : i32
          %dma_wait3A_271 = tpu.memref_slice %arg5[%add3A_269, %dma_wait3A_270] : memref<81920x304xf32, #tpu.memory_space<hbm>> -> memref<80x304xf32, #tpu.memory_space<hbm>>
          %dma_wait3A_272 = arith.constant 0 : i32
          %dma_wait3A_273 = tpu.memref_slice %arg5[%add3A_269, %dma_wait3A_272] : memref<81920x304xf32, #tpu.memory_space<hbm>> -> memref<80x304xf32, #tpu.memory_space<hbm>>
          tpu.wait_dma2 semaphore(%arg15 : memref<!tpu.dma_semaphore, #tpu.memory_space<semaphore_mem>>) src(%arg12 : memref<80x304xf32, #tpu.memory_space<vmem>>) dst(%dma_wait3A_273 : memref<80x304xf32, #tpu.memory_space<hbm>>)
        } else {
        }
        %dma_start3A_101 = arith.constant 0 : i32
        %dma_start3A_102 = arith.constant 0 : i32
        %dma_start3A_103 = tpu.memref_slice %arg12[%dma_start3A_101, %dma_start3A_102] : memref<80x304xf32, #tpu.memory_space<vmem>> -> memref<16x256xf32, #tpu.memory_space<vmem>>
        %dma_start3A_104 = arith.constant 0 : i32
        %dma_start3A_105 = tpu.memref_slice %arg8[%dma_start3A_104] : memref<80xi32, #tpu.memory_space<vmem>> -> memref<16xi32, #tpu.memory_space<vmem>>
        %dma_start3A_106 = arith.constant 0 : i32
        %dma_start3A_107 = arith.constant 0 : i32
        %dma_start3A_108 = tpu.memref_slice %arg2[%dma_start3A_106, %dma_start3A_107] : memref<100000x300xf32, #tpu.memory_space<hbm>> -> memref<100000x256xf32, #tpu.memory_space<hbm>>
        tpu.enqueue_indirect_dma source(%dma_start3A_108 : memref<100000x256xf32, #tpu.memory_space<hbm>>) target(%dma_start3A_103 : memref<16x256xf32, #tpu.memory_space<vmem>>) offsets(%dma_start3A_105 : memref<16xi32, #tpu.memory_space<vmem>>) semaphore(%arg13 : memref<!tpu.dma_semaphore, #tpu.memory_space<semaphore_mem>>)
        %dma_start3A_109 = arith.constant 0 : i32
        %dma_start3A_110 = arith.constant 0 : i32
        %dma_start3A_111 = tpu.memref_slice %arg10[%dma_start3A_109, %dma_start3A_110] : memref<80x128xf32, #tpu.memory_space<vmem>> -> memref<16x128xf32, #tpu.memory_space<vmem>>
        %dma_start3A_112 = arith.constant 0 : i32
        %dma_start3A_113 = tpu.memref_slice %arg8[%dma_start3A_112] : memref<80xi32, #tpu.memory_space<vmem>> -> memref<16xi32, #tpu.memory_space<vmem>>
        %dma_start3A_114 = arith.constant 0 : i32
        %dma_start3A_115 = arith.constant 0 : i32
        %dma_start3A_116 = tpu.memref_slice %arg3[%dma_start3A_114, %dma_start3A_115] : memref<100000x128xf32, #tpu.memory_space<hbm>> -> memref<100000x128xf32, #tpu.memory_space<hbm>>
        tpu.enqueue_indirect_dma source(%dma_start3A_116 : memref<100000x128xf32, #tpu.memory_space<hbm>>) target(%dma_start3A_111 : memref<16x128xf32, #tpu.memory_space<vmem>>) offsets(%dma_start3A_113 : memref<16xi32, #tpu.memory_space<vmem>>) semaphore(%arg13 : memref<!tpu.dma_semaphore, #tpu.memory_space<semaphore_mem>>)
        %dma_start3A_117 = arith.constant 16 : i32
        %dma_start3A_118 = arith.constant 0 : i32
        %dma_start3A_119 = tpu.memref_slice %arg12[%dma_start3A_117, %dma_start3A_118] : memref<80x304xf32, #tpu.memory_space<vmem>> -> memref<16x256xf32, #tpu.memory_space<vmem>>
        %dma_start3A_120 = arith.constant 16 : i32
        %dma_start3A_121 = tpu.memref_slice %arg8[%dma_start3A_120] : memref<80xi32, #tpu.memory_space<vmem>> -> memref<16xi32, #tpu.memory_space<vmem>>
        %dma_start3A_122 = arith.constant 0 : i32
        %dma_start3A_123 = arith.constant 0 : i32
        %dma_start3A_124 = tpu.memref_slice %arg2[%dma_start3A_122, %dma_start3A_123] : memref<100000x300xf32, #tpu.memory_space<hbm>> -> memref<100000x256xf32, #tpu.memory_space<hbm>>
        tpu.enqueue_indirect_dma source(%dma_start3A_124 : memref<100000x256xf32, #tpu.memory_space<hbm>>) target(%dma_start3A_119 : memref<16x256xf32, #tpu.memory_space<vmem>>) offsets(%dma_start3A_121 : memref<16xi32, #tpu.memory_space<vmem>>) semaphore(%arg13 : memref<!tpu.dma_semaphore, #tpu.memory_space<semaphore_mem>>)
        %dma_start3A_125 = arith.constant 16 : i32
        %dma_start3A_126 = arith.constant 0 : i32
        %dma_start3A_127 = tpu.memref_slice %arg10[%dma_start3A_125, %dma_start3A_126] : memref<80x128xf32, #tpu.memory_space<vmem>> -> memref<16x128xf32, #tpu.memory_space<vmem>>
        %dma_start3A_128 = arith.constant 16 : i32
        %dma_start3A_129 = tpu.memref_slice %arg8[%dma_start3A_128] : memref<80xi32, #tpu.memory_space<vmem>> -> memref<16xi32, #tpu.memory_space<vmem>>
        %dma_start3A_130 = arith.constant 0 : i32
        %dma_start3A_131 = arith.constant 0 : i32
        %dma_start3A_132 = tpu.memref_slice %arg3[%dma_start3A_130, %dma_start3A_131] : memref<100000x128xf32, #tpu.memory_space<hbm>> -> memref<100000x128xf32, #tpu.memory_space<hbm>>
        tpu.enqueue_indirect_dma source(%dma_start3A_132 : memref<100000x128xf32, #tpu.memory_space<hbm>>) target(%dma_start3A_127 : memref<16x128xf32, #tpu.memory_space<vmem>>) offsets(%dma_start3A_129 : memref<16xi32, #tpu.memory_space<vmem>>) semaphore(%arg13 : memref<!tpu.dma_semaphore, #tpu.memory_space<semaphore_mem>>)
        %dma_start3A_133 = arith.constant 32 : i32
        %dma_start3A_134 = arith.constant 0 : i32
        %dma_start3A_135 = tpu.memref_slice %arg12[%dma_start3A_133, %dma_start3A_134] : memref<80x304xf32, #tpu.memory_space<vmem>> -> memref<16x256xf32, #tpu.memory_space<vmem>>
        %dma_start3A_136 = arith.constant 32 : i32
        %dma_start3A_137 = tpu.memref_slice %arg8[%dma_start3A_136] : memref<80xi32, #tpu.memory_space<vmem>> -> memref<16xi32, #tpu.memory_space<vmem>>
        %dma_start3A_138 = arith.constant 0 : i32
        %dma_start3A_139 = arith.constant 0 : i32
        %dma_start3A_140 = tpu.memref_slice %arg2[%dma_start3A_138, %dma_start3A_139] : memref<100000x300xf32, #tpu.memory_space<hbm>> -> memref<100000x256xf32, #tpu.memory_space<hbm>>
        tpu.enqueue_indirect_dma source(%dma_start3A_140 : memref<100000x256xf32, #tpu.memory_space<hbm>>) target(%dma_start3A_135 : memref<16x256xf32, #tpu.memory_space<vmem>>) offsets(%dma_start3A_137 : memref<16xi32, #tpu.memory_space<vmem>>) semaphore(%arg13 : memref<!tpu.dma_semaphore, #tpu.memory_space<semaphore_mem>>)
        %dma_start3A_141 = arith.constant 32 : i32
        %dma_start3A_142 = arith.constant 0 : i32
        %dma_start3A_143 = tpu.memref_slice %arg10[%dma_start3A_141, %dma_start3A_142] : memref<80x128xf32, #tpu.memory_space<vmem>> -> memref<16x128xf32, #tpu.memory_space<vmem>>
        %dma_start3A_144 = arith.constant 32 : i32
        %dma_start3A_145 = tpu.memref_slice %arg8[%dma_start3A_144] : memref<80xi32, #tpu.memory_space<vmem>> -> memref<16xi32, #tpu.memory_space<vmem>>
        %dma_start3A_146 = arith.constant 0 : i32
        %dma_start3A_147 = arith.constant 0 : i32
        %dma_start3A_148 = tpu.memref_slice %arg3[%dma_start3A_146, %dma_start3A_147] : memref<100000x128xf32, #tpu.memory_space<hbm>> -> memref<100000x128xf32, #tpu.memory_space<hbm>>
        tpu.enqueue_indirect_dma source(%dma_start3A_148 : memref<100000x128xf32, #tpu.memory_space<hbm>>) target(%dma_start3A_143 : memref<16x128xf32, #tpu.memory_space<vmem>>) offsets(%dma_start3A_145 : memref<16xi32, #tpu.memory_space<vmem>>) semaphore(%arg13 : memref<!tpu.dma_semaphore, #tpu.memory_space<semaphore_mem>>)
        %dma_start3A_149 = arith.constant 48 : i32
        %dma_start3A_150 = arith.constant 0 : i32
        %dma_start3A_151 = tpu.memref_slice %arg12[%dma_start3A_149, %dma_start3A_150] : memref<80x304xf32, #tpu.memory_space<vmem>> -> memref<16x256xf32, #tpu.memory_space<vmem>>
        %dma_start3A_152 = arith.constant 48 : i32
        %dma_start3A_153 = tpu.memref_slice %arg8[%dma_start3A_152] : memref<80xi32, #tpu.memory_space<vmem>> -> memref<16xi32, #tpu.memory_space<vmem>>
        %dma_start3A_154 = arith.constant 0 : i32
        %dma_start3A_155 = arith.constant 0 : i32
        %dma_start3A_156 = tpu.memref_slice %arg2[%dma_start3A_154, %dma_start3A_155] : memref<100000x300xf32, #tpu.memory_space<hbm>> -> memref<100000x256xf32, #tpu.memory_space<hbm>>
        tpu.enqueue_indirect_dma source(%dma_start3A_156 : memref<100000x256xf32, #tpu.memory_space<hbm>>) target(%dma_start3A_151 : memref<16x256xf32, #tpu.memory_space<vmem>>) offsets(%dma_start3A_153 : memref<16xi32, #tpu.memory_space<vmem>>) semaphore(%arg13 : memref<!tpu.dma_semaphore, #tpu.memory_space<semaphore_mem>>)
        %dma_start3A_157 = arith.constant 48 : i32
        %dma_start3A_158 = arith.constant 0 : i32
        %dma_start3A_159 = tpu.memref_slice %arg10[%dma_start3A_157, %dma_start3A_158] : memref<80x128xf32, #tpu.memory_space<vmem>> -> memref<16x128xf32, #tpu.memory_space<vmem>>
        %dma_start3A_160 = arith.constant 48 : i32
        %dma_start3A_161 = tpu.memref_slice %arg8[%dma_start3A_160] : memref<80xi32, #tpu.memory_space<vmem>> -> memref<16xi32, #tpu.memory_space<vmem>>
        %dma_start3A_162 = arith.constant 0 : i32
        %dma_start3A_163 = arith.constant 0 : i32
        %dma_start3A_164 = tpu.memref_slice %arg3[%dma_start3A_162, %dma_start3A_163] : memref<100000x128xf32, #tpu.memory_space<hbm>> -> memref<100000x128xf32, #tpu.memory_space<hbm>>
        tpu.enqueue_indirect_dma source(%dma_start3A_164 : memref<100000x128xf32, #tpu.memory_space<hbm>>) target(%dma_start3A_159 : memref<16x128xf32, #tpu.memory_space<vmem>>) offsets(%dma_start3A_161 : memref<16xi32, #tpu.memory_space<vmem>>) semaphore(%arg13 : memref<!tpu.dma_semaphore, #tpu.memory_space<semaphore_mem>>)
        %dma_start3A_165 = arith.constant 64 : i32
        %dma_start3A_166 = arith.constant 0 : i32
        %dma_start3A_167 = tpu.memref_slice %arg12[%dma_start3A_165, %dma_start3A_166] : memref<80x304xf32, #tpu.memory_space<vmem>> -> memref<16x256xf32, #tpu.memory_space<vmem>>
        %dma_start3A_168 = arith.constant 64 : i32
        %dma_start3A_169 = tpu.memref_slice %arg8[%dma_start3A_168] : memref<80xi32, #tpu.memory_space<vmem>> -> memref<16xi32, #tpu.memory_space<vmem>>
        %dma_start3A_170 = arith.constant 0 : i32
        %dma_start3A_171 = arith.constant 0 : i32
        %dma_start3A_172 = tpu.memref_slice %arg2[%dma_start3A_170, %dma_start3A_171] : memref<100000x300xf32, #tpu.memory_space<hbm>> -> memref<100000x256xf32, #tpu.memory_space<hbm>>
        tpu.enqueue_indirect_dma source(%dma_start3A_172 : memref<100000x256xf32, #tpu.memory_space<hbm>>) target(%dma_start3A_167 : memref<16x256xf32, #tpu.memory_space<vmem>>) offsets(%dma_start3A_169 : memref<16xi32, #tpu.memory_space<vmem>>) semaphore(%arg13 : memref<!tpu.dma_semaphore, #tpu.memory_space<semaphore_mem>>)
        %dma_start3A_173 = arith.constant 64 : i32
        %dma_start3A_174 = arith.constant 0 : i32
        %dma_start3A_175 = tpu.memref_slice %arg10[%dma_start3A_173, %dma_start3A_174] : memref<80x128xf32, #tpu.memory_space<vmem>> -> memref<16x128xf32, #tpu.memory_space<vmem>>
        %dma_start3A_176 = arith.constant 64 : i32
        %dma_start3A_177 = tpu.memref_slice %arg8[%dma_start3A_176] : memref<80xi32, #tpu.memory_space<vmem>> -> memref<16xi32, #tpu.memory_space<vmem>>
        %dma_start3A_178 = arith.constant 0 : i32
        %dma_start3A_179 = arith.constant 0 : i32
        %dma_start3A_180 = tpu.memref_slice %arg3[%dma_start3A_178, %dma_start3A_179] : memref<100000x128xf32, #tpu.memory_space<hbm>> -> memref<100000x128xf32, #tpu.memory_space<hbm>>
        tpu.enqueue_indirect_dma source(%dma_start3A_180 : memref<100000x128xf32, #tpu.memory_space<hbm>>) target(%dma_start3A_175 : memref<16x128xf32, #tpu.memory_space<vmem>>) offsets(%dma_start3A_177 : memref<16xi32, #tpu.memory_space<vmem>>) semaphore(%arg13 : memref<!tpu.dma_semaphore, #tpu.memory_space<semaphore_mem>>)
        %ge3A_181 = arith.constant 1 : i32
        %ge3A_182 = arith.cmpi sge, %scan3A_40, %ge3A_181 : i32
        %convert_element_type3A_183 = arith.extui %ge3A_182 : i1 to i32
        %cond3A_184 = arith.constant 0 : i32
        %cond3A_185 = arith.cmpi ne, %convert_element_type3A_183, %cond3A_184 : i32
        scf.if %cond3A_185 {
          %sub3A = arith.constant 1 : i32
          %sub3A_266 = arith.subi %scan3A_40, %sub3A : i32
          %mul3A_267 = arith.constant 80 : i32
          %mul3A_268 = arith.muli %sub3A_266, %mul3A_267 : i32
          %scan3A_269 = arith.constant 0 : i32
          %scan3A_270 = arith.constant 0 : i32
          %scan3A_271 = arith.constant 80 : i32
          %scan3A_272 = arith.addi %scan3A_270, %scan3A_271 : i32
          %scan3A_273 = arith.constant 1 : i32
          %scan3A_274 = scf.for %scan3A_292 = %scan3A_270 to %scan3A_272 step %scan3A_273 iter_args(%scan3A_293 = %scan3A_269) -> (i32)  : i32 {
            %get3A_294 = arith.index_cast %scan3A_292 : i32 to index
            %get3A_295 = arith.constant 0 : index
            %get3A_296 = tpu.vector_load %arg9[%get3A_294, %get3A_295] {strides = array<i32>} : memref<80x128xf32, #tpu.memory_space<vmem>>, vector<16xf32>,
            %swap3A_297 = arith.index_cast %scan3A_292 : i32 to index
            %swap3A_298 = arith.constant 256 : index
            %swap3A_299 = tpu.vector_load %arg11[%swap3A_297, %swap3A_298] {strides = array<i32>} : memref<80x304xf32, #tpu.memory_space<vmem>>, vector<16xf32>,
            tpu.vector_store %arg11[%swap3A_297, %swap3A_298], %get3A_296 {strides = array<i32>} : memref<80x304xf32, #tpu.memory_space<vmem>>, vector<16xf32>,
            %get3A_300 = arith.index_cast %scan3A_292 : i32 to index
            %get3A_301 = arith.constant 16 : index
            %get3A_302 = tpu.vector_load %arg9[%get3A_300, %get3A_301] {strides = array<i32>} : memref<80x128xf32, #tpu.memory_space<vmem>>, vector<16xf32>,
            %swap3A_303 = arith.index_cast %scan3A_292 : i32 to index
            %swap3A_304 = arith.constant 272 : index
            %swap3A_305 = tpu.vector_load %arg11[%swap3A_303, %swap3A_304] {strides = array<i32>} : memref<80x304xf32, #tpu.memory_space<vmem>>, vector<16xf32>,
            tpu.vector_store %arg11[%swap3A_303, %swap3A_304], %get3A_302 {strides = array<i32>} : memref<80x304xf32, #tpu.memory_space<vmem>>, vector<16xf32>,
            %get3A_306 = arith.index_cast %scan3A_292 : i32 to index
            %get3A_307 = arith.constant 32 : index
            %get3A_308 = tpu.vector_load %arg9[%get3A_306, %get3A_307] {strides = array<i32>} : memref<80x128xf32, #tpu.memory_space<vmem>>, vector<16xf32>,
            %swap3A_309 = arith.index_cast %scan3A_292 : i32 to index
            %swap3A_310 = arith.constant 288 : index
            %swap3A_311 = tpu.vector_load %arg11[%swap3A_309, %swap3A_310] {strides = array<i32>} : memref<80x304xf32, #tpu.memory_space<vmem>>, vector<16xf32>,
            tpu.vector_store %arg11[%swap3A_309, %swap3A_310], %get3A_308 {strides = array<i32>} : memref<80x304xf32, #tpu.memory_space<vmem>>, vector<16xf32>,
            %scan3A_312 = arith.constant 0 : i32
            scf.yield %scan3A_312 : i32
          }
          %scan3A_275 = arith.constant 80 : i32
          %scan3A_276 = arith.constant 0 : i32
          %scan3A_277 = arith.constant 0 : i32
          %scan3A_278 = arith.constant 5 : i32
          %scan3A_279 = arith.addi %scan3A_277, %scan3A_278 : i32
          %scan3A_280 = arith.constant 1 : i32
          %scan3A_281 = scf.for %scan3A_292 = %scan3A_277 to %scan3A_279 step %scan3A_280 iter_args(%scan3A_293 = %scan3A_276) -> (i32)  : i32 {
            %mul3A_294 = arith.constant 16 : i32
            %mul3A_295 = arith.muli %scan3A_292, %mul3A_294 : i32
            %add3A_296 = arith.addi %mul3A_268, %mul3A_295 : i32
            %get3A_297 = arith.index_cast %add3A_296 : i32 to index
            %get3A_298 = tpu.vector_load %arg6[%get3A_297] {strides = array<i32>} : memref<2576xi32, #tpu.memory_space<vmem>>, vector<16xi32>,
            %ge3A_299 = arith.constant 100000 : i32
            %ge3A_300 = vector.broadcast %ge3A_299 : i32 to vector<16xi32>
            %ge3A_301 = arith.cmpi sge, %get3A_298, %ge3A_300 : vector<16xi32>
            %all_reduce_population_count3A = tpu.all_reduce %ge3A_301 {dim = 0 : i64, kind = #tpu.reduction_kind<sum>} : vector<16xi1> -> vector<16xi32>
            %slice3A = vector.extract_strided_slice %all_reduce_population_count3A {offsets = [0], sizes = [1], strides = [1]} : vector<16xi32> to vector<1xi32>
            %squeeze3A = vector.extract %slice3A[0] : i32 from vector<1xi32>
            %gt3A = arith.constant 0 : i32
            %gt3A_302 = arith.cmpi sgt, %squeeze3A, %gt3A : i32
            %convert_element_type3A_303 = arith.extui %gt3A_302 : i1 to i32
            %cond3A_304 = arith.constant 0 : i32
            %cond3A_305 = arith.cmpi ne, %convert_element_type3A_303, %cond3A_304 : i32
            scf.if %cond3A_305 {
              %scan3A_307 = arith.constant 0 : i32
              %scan3A_308 = arith.constant 0 : i32
              %scan3A_309 = arith.constant 16 : i32
              %scan3A_310 = arith.addi %scan3A_308, %scan3A_309 : i32
              %scan3A_311 = arith.constant 1 : i32
              %scan3A_312 = scf.for %scan3A_314 = %scan3A_308 to %scan3A_310 step %scan3A_311 iter_args(%scan3A_315 = %scan3A_307) -> (i32)  : i32 {
                %mul3A_316 = arith.constant 16 : i32
                %mul3A_317 = arith.muli %scan3A_292, %mul3A_316 : i32
                %add3A_318 = arith.addi %mul3A_268, %mul3A_317 : i32
                %add3A_319 = arith.addi %add3A_318, %scan3A_314 : i32
                %get3A_320 = arith.index_cast %add3A_319 : i32 to index
                %get3A_321 = tpu.vector_load %arg6[%get3A_320] {strides = array<i32>} : memref<2576xi32, #tpu.memory_space<vmem>>, vector<16xi32>,
                %slice3A_322 = vector.extract_strided_slice %get3A_321 {offsets = [0], sizes = [1], strides = [1]} : vector<16xi32> to vector<1xi32>
                %squeeze3A_323 = vector.extract %slice3A_322[0] : i32 from vector<1xi32>
                %ge3A_324 = arith.constant 100000 : i32
                %ge3A_325 = arith.cmpi sge, %squeeze3A_323, %ge3A_324 : i32
                %convert_element_type3A_326 = arith.extui %ge3A_325 : i1 to i32
                %cond3A_327 = arith.constant 0 : i32
                %cond3A_328 = arith.cmpi ne, %convert_element_type3A_326, %cond3A_327 : i32
                scf.if %cond3A_328 {
                  %mul3A_330 = arith.constant 16 : i32
                  %mul3A_331 = arith.muli %scan3A_292, %mul3A_330 : i32
                  %add3A_332 = arith.addi %mul3A_331, %scan3A_314 : i32
                  %swap3A_333 = arith.index_cast %add3A_332 : i32 to index
                  %swap3A_334 = arith.constant 0 : index
                  %swap3A_335 = tpu.vector_load %arg11[%swap3A_333, %swap3A_334] {strides = array<i32>} : memref<80x304xf32, #tpu.memory_space<vmem>>, vector<16xf32>,
                  tpu.vector_store %arg11[%swap3A_333, %swap3A_334], %broadcast_in_dim3A_3 {strides = array<i32>} : memref<80x304xf32, #tpu.memory_space<vmem>>, vector<16xf32>,
                  %mul3A_336 = arith.constant 16 : i32
                  %mul3A_337 = arith.muli %scan3A_292, %mul3A_336 : i32
                  %add3A_338 = arith.addi %mul3A_337, %scan3A_314 : i32
                  %swap3A_339 = arith.index_cast %add3A_338 : i32 to index
                  %swap3A_340 = arith.constant 16 : index
                  %swap3A_341 = tpu.vector_load %arg11[%swap3A_339, %swap3A_340] {strides = array<i32>} : memref<80x304xf32, #tpu.memory_space<vmem>>, vector<16xf32>,
                  tpu.vector_store %arg11[%swap3A_339, %swap3A_340], %broadcast_in_dim3A_3 {strides = array<i32>} : memref<80x304xf32, #tpu.memory_space<vmem>>, vector<16xf32>,
                  %mul3A_342 = arith.constant 16 : i32
                  %mul3A_343 = arith.muli %scan3A_292, %mul3A_342 : i32
                  %add3A_344 = arith.addi %mul3A_343, %scan3A_314 : i32
                  %swap3A_345 = arith.index_cast %add3A_344 : i32 to index
                  %swap3A_346 = arith.constant 32 : index
                  %swap3A_347 = tpu.vector_load %arg11[%swap3A_345, %swap3A_346] {strides = array<i32>} : memref<80x304xf32, #tpu.memory_space<vmem>>, vector<16xf32>,
                  tpu.vector_store %arg11[%swap3A_345, %swap3A_346], %broadcast_in_dim3A_3 {strides = array<i32>} : memref<80x304xf32, #tpu.memory_space<vmem>>, vector<16xf32>,
                  %mul3A_348 = arith.constant 16 : i32
                  %mul3A_349 = arith.muli %scan3A_292, %mul3A_348 : i32
                  %add3A_350 = arith.addi %mul3A_349, %scan3A_314 : i32
                  %swap3A_351 = arith.index_cast %add3A_350 : i32 to index
                  %swap3A_352 = arith.constant 48 : index
                  %swap3A_353 = tpu.vector_load %arg11[%swap3A_351, %swap3A_352] {strides = array<i32>} : memref<80x304xf32, #tpu.memory_space<vmem>>, vector<16xf32>,
                  tpu.vector_store %arg11[%swap3A_351, %swap3A_352], %broadcast_in_dim3A_3 {strides = array<i32>} : memref<80x304xf32, #tpu.memory_space<vmem>>, vector<16xf32>,
                  %mul3A_354 = arith.constant 16 : i32
                  %mul3A_355 = arith.muli %scan3A_292, %mul3A_354 : i32
                  %add3A_356 = arith.addi %mul3A_355, %scan3A_314 : i32
                  %swap3A_357 = arith.index_cast %add3A_356 : i32 to index
                  %swap3A_358 = arith.constant 64 : index
                  %swap3A_359 = tpu.vector_load %arg11[%swap3A_357, %swap3A_358] {strides = array<i32>} : memref<80x304xf32, #tpu.memory_space<vmem>>, vector<16xf32>,
                  tpu.vector_store %arg11[%swap3A_357, %swap3A_358], %broadcast_in_dim3A_3 {strides = array<i32>} : memref<80x304xf32, #tpu.memory_space<vmem>>, vector<16xf32>,
                  %mul3A_360 = arith.constant 16 : i32
                  %mul3A_361 = arith.muli %scan3A_292, %mul3A_360 : i32
                  %add3A_362 = arith.addi %mul3A_361, %scan3A_314 : i32
                  %swap3A_363 = arith.index_cast %add3A_362 : i32 to index
                  %swap3A_364 = arith.constant 80 : index
                  %swap3A_365 = tpu.vector_load %arg11[%swap3A_363, %swap3A_364] {strides = array<i32>} : memref<80x304xf32, #tpu.memory_space<vmem>>, vector<16xf32>,
                  tpu.vector_store %arg11[%swap3A_363, %swap3A_364], %broadcast_in_dim3A_3 {strides = array<i32>} : memref<80x304xf32, #tpu.memory_space<vmem>>, vector<16xf32>,
                  %mul3A_366 = arith.constant 16 : i32
                  %mul3A_367 = arith.muli %scan3A_292, %mul3A_366 : i32
                  %add3A_368 = arith.addi %mul3A_367, %scan3A_314 : i32
                  %swap3A_369 = arith.index_cast %add3A_368 : i32 to index
                  %swap3A_370 = arith.constant 96 : index
                  %swap3A_371 = tpu.vector_load %arg11[%swap3A_369, %swap3A_370] {strides = array<i32>} : memref<80x304xf32, #tpu.memory_space<vmem>>, vector<16xf32>,
                  tpu.vector_store %arg11[%swap3A_369, %swap3A_370], %broadcast_in_dim3A_3 {strides = array<i32>} : memref<80x304xf32, #tpu.memory_space<vmem>>, vector<16xf32>,
                  %mul3A_372 = arith.constant 16 : i32
                  %mul3A_373 = arith.muli %scan3A_292, %mul3A_372 : i32
                  %add3A_374 = arith.addi %mul3A_373, %scan3A_314 : i32
                  %swap3A_375 = arith.index_cast %add3A_374 : i32 to index
                  %swap3A_376 = arith.constant 112 : index
                  %swap3A_377 = tpu.vector_load %arg11[%swap3A_375, %swap3A_376] {strides = array<i32>} : memref<80x304xf32, #tpu.memory_space<vmem>>, vector<16xf32>,
                  tpu.vector_store %arg11[%swap3A_375, %swap3A_376], %broadcast_in_dim3A_3 {strides = array<i32>} : memref<80x304xf32, #tpu.memory_space<vmem>>, vector<16xf32>,
                  %mul3A_378 = arith.constant 16 : i32
                  %mul3A_379 = arith.muli %scan3A_292, %mul3A_378 : i32
                  %add3A_380 = arith.addi %mul3A_379, %scan3A_314 : i32
                  %swap3A_381 = arith.index_cast %add3A_380 : i32 to index
                  %swap3A_382 = arith.constant 128 : index
                  %swap3A_383 = tpu.vector_load %arg11[%swap3A_381, %swap3A_382] {strides = array<i32>} : memref<80x304xf32, #tpu.memory_space<vmem>>, vector<16xf32>,
                  tpu.vector_store %arg11[%swap3A_381, %swap3A_382], %broadcast_in_dim3A_3 {strides = array<i32>} : memref<80x304xf32, #tpu.memory_space<vmem>>, vector<16xf32>,
                  %mul3A_384 = arith.constant 16 : i32
                  %mul3A_385 = arith.muli %scan3A_292, %mul3A_384 : i32
                  %add3A_386 = arith.addi %mul3A_385, %scan3A_314 : i32
                  %swap3A_387 = arith.index_cast %add3A_386 : i32 to index
                  %swap3A_388 = arith.constant 144 : index
                  %swap3A_389 = tpu.vector_load %arg11[%swap3A_387, %swap3A_388] {strides = array<i32>} : memref<80x304xf32, #tpu.memory_space<vmem>>, vector<16xf32>,
                  tpu.vector_store %arg11[%swap3A_387, %swap3A_388], %broadcast_in_dim3A_3 {strides = array<i32>} : memref<80x304xf32, #tpu.memory_space<vmem>>, vector<16xf32>,
                  %mul3A_390 = arith.constant 16 : i32
                  %mul3A_391 = arith.muli %scan3A_292, %mul3A_390 : i32
                  %add3A_392 = arith.addi %mul3A_391, %scan3A_314 : i32
                  %swap3A_393 = arith.index_cast %add3A_392 : i32 to index
                  %swap3A_394 = arith.constant 160 : index
                  %swap3A_395 = tpu.vector_load %arg11[%swap3A_393, %swap3A_394] {strides = array<i32>} : memref<80x304xf32, #tpu.memory_space<vmem>>, vector<16xf32>,
                  tpu.vector_store %arg11[%swap3A_393, %swap3A_394], %broadcast_in_dim3A_3 {strides = array<i32>} : memref<80x304xf32, #tpu.memory_space<vmem>>, vector<16xf32>,
                  %mul3A_396 = arith.constant 16 : i32
                  %mul3A_397 = arith.muli %scan3A_292, %mul3A_396 : i32
                  %add3A_398 = arith.addi %mul3A_397, %scan3A_314 : i32
                  %swap3A_399 = arith.index_cast %add3A_398 : i32 to index
                  %swap3A_400 = arith.constant 176 : index
                  %swap3A_401 = tpu.vector_load %arg11[%swap3A_399, %swap3A_400] {strides = array<i32>} : memref<80x304xf32, #tpu.memory_space<vmem>>, vector<16xf32>,
                  tpu.vector_store %arg11[%swap3A_399, %swap3A_400], %broadcast_in_dim3A_3 {strides = array<i32>} : memref<80x304xf32, #tpu.memory_space<vmem>>, vector<16xf32>,
                  %mul3A_402 = arith.constant 16 : i32
                  %mul3A_403 = arith.muli %scan3A_292, %mul3A_402 : i32
                  %add3A_404 = arith.addi %mul3A_403, %scan3A_314 : i32
                  %swap3A_405 = arith.index_cast %add3A_404 : i32 to index
                  %swap3A_406 = arith.constant 192 : index
                  %swap3A_407 = tpu.vector_load %arg11[%swap3A_405, %swap3A_406] {strides = array<i32>} : memref<80x304xf32, #tpu.memory_space<vmem>>, vector<16xf32>,
                  tpu.vector_store %arg11[%swap3A_405, %swap3A_406], %broadcast_in_dim3A_3 {strides = array<i32>} : memref<80x304xf32, #tpu.memory_space<vmem>>, vector<16xf32>,
                  %mul3A_408 = arith.constant 16 : i32
                  %mul3A_409 = arith.muli %scan3A_292, %mul3A_408 : i32
                  %add3A_410 = arith.addi %mul3A_409, %scan3A_314 : i32
                  %swap3A_411 = arith.index_cast %add3A_410 : i32 to index
                  %swap3A_412 = arith.constant 208 : index
                  %swap3A_413 = tpu.vector_load %arg11[%swap3A_411, %swap3A_412] {strides = array<i32>} : memref<80x304xf32, #tpu.memory_space<vmem>>, vector<16xf32>,
                  tpu.vector_store %arg11[%swap3A_411, %swap3A_412], %broadcast_in_dim3A_3 {strides = array<i32>} : memref<80x304xf32, #tpu.memory_space<vmem>>, vector<16xf32>,
                  %mul3A_414 = arith.constant 16 : i32
                  %mul3A_415 = arith.muli %scan3A_292, %mul3A_414 : i32
                  %add3A_416 = arith.addi %mul3A_415, %scan3A_314 : i32
                  %swap3A_417 = arith.index_cast %add3A_416 : i32 to index
                  %swap3A_418 = arith.constant 224 : index
                  %swap3A_419 = tpu.vector_load %arg11[%swap3A_417, %swap3A_418] {strides = array<i32>} : memref<80x304xf32, #tpu.memory_space<vmem>>, vector<16xf32>,
                  tpu.vector_store %arg11[%swap3A_417, %swap3A_418], %broadcast_in_dim3A_3 {strides = array<i32>} : memref<80x304xf32, #tpu.memory_space<vmem>>, vector<16xf32>,
                  %mul3A_420 = arith.constant 16 : i32
                  %mul3A_421 = arith.muli %scan3A_292, %mul3A_420 : i32
                  %add3A_422 = arith.addi %mul3A_421, %scan3A_314 : i32
                  %swap3A_423 = arith.index_cast %add3A_422 : i32 to index
                  %swap3A_424 = arith.constant 240 : index
                  %swap3A_425 = tpu.vector_load %arg11[%swap3A_423, %swap3A_424] {strides = array<i32>} : memref<80x304xf32, #tpu.memory_space<vmem>>, vector<16xf32>,
                  tpu.vector_store %arg11[%swap3A_423, %swap3A_424], %broadcast_in_dim3A_3 {strides = array<i32>} : memref<80x304xf32, #tpu.memory_space<vmem>>, vector<16xf32>,
                  %mul3A_426 = arith.constant 16 : i32
                  %mul3A_427 = arith.muli %scan3A_292, %mul3A_426 : i32
                  %add3A_428 = arith.addi %mul3A_427, %scan3A_314 : i32
                  %swap3A_429 = arith.index_cast %add3A_428 : i32 to index
                  %swap3A_430 = arith.constant 256 : index
                  %swap3A_431 = tpu.vector_load %arg11[%swap3A_429, %swap3A_430] {strides = array<i32>} : memref<80x304xf32, #tpu.memory_space<vmem>>, vector<16xf32>,
                  tpu.vector_store %arg11[%swap3A_429, %swap3A_430], %broadcast_in_dim3A_3 {strides = array<i32>} : memref<80x304xf32, #tpu.memory_space<vmem>>, vector<16xf32>,
                  %mul3A_432 = arith.constant 16 : i32
                  %mul3A_433 = arith.muli %scan3A_292, %mul3A_432 : i32
                  %add3A_434 = arith.addi %mul3A_433, %scan3A_314 : i32
                  %swap3A_435 = arith.index_cast %add3A_434 : i32 to index
                  %swap3A_436 = arith.constant 272 : index
                  %swap3A_437 = tpu.vector_load %arg11[%swap3A_435, %swap3A_436] {strides = array<i32>} : memref<80x304xf32, #tpu.memory_space<vmem>>, vector<16xf32>,
                  tpu.vector_store %arg11[%swap3A_435, %swap3A_436], %broadcast_in_dim3A_3 {strides = array<i32>} : memref<80x304xf32, #tpu.memory_space<vmem>>, vector<16xf32>,
                  %mul3A_438 = arith.constant 16 : i32
                  %mul3A_439 = arith.muli %scan3A_292, %mul3A_438 : i32
                  %add3A_440 = arith.addi %mul3A_439, %scan3A_314 : i32
                  %swap3A_441 = arith.index_cast %add3A_440 : i32 to index
                  %swap3A_442 = arith.constant 288 : index
                  %swap3A_443 = tpu.vector_load %arg11[%swap3A_441, %swap3A_442] {strides = array<i32>} : memref<80x304xf32, #tpu.memory_space<vmem>>, vector<16xf32>,
                  tpu.vector_store %arg11[%swap3A_441, %swap3A_442], %broadcast_in_dim3A_3 {strides = array<i32>} : memref<80x304xf32, #tpu.memory_space<vmem>>, vector<16xf32>,
                } else {
                }
                %scan3A_329 = arith.constant 0 : i32
                scf.yield %scan3A_329 : i32
              }
              %scan3A_313 = arith.constant 16 : i32
            } else {
            }
            %scan3A_306 = arith.constant 0 : i32
            scf.yield %scan3A_306 : i32
          }
          %scan3A_282 = arith.constant 5 : i32
          %sub3A_283 = arith.constant 1 : i32
          %sub3A_284 = arith.subi %scan3A_40, %sub3A_283 : i32
          %mul3A_285 = arith.constant 80 : i32
          %mul3A_286 = arith.muli %sub3A_284, %mul3A_285 : i32
          %add3A_287 = arith.addi %mul3A_2, %mul3A_286 : i32
          %dma_start3A_288 = arith.constant 0 : i32
          %dma_start3A_289 = tpu.memref_slice %arg5[%add3A_287, %dma_start3A_288] : memref<81920x304xf32, #tpu.memory_space<hbm>> -> memref<80x304xf32, #tpu.memory_space<hbm>>
          %dma_start3A_290 = arith.constant 0 : i32
          %dma_start3A_291 = tpu.memref_slice %arg5[%add3A_287, %dma_start3A_290] : memref<81920x304xf32, #tpu.memory_space<hbm>> -> memref<80x304xf32, #tpu.memory_space<hbm>>
          tpu.enqueue_dma source(%arg11 : memref<80x304xf32, #tpu.memory_space<vmem>>) target(%dma_start3A_291 : memref<80x304xf32, #tpu.memory_space<hbm>>) target_semaphore(%arg14 : memref<!tpu.dma_semaphore, #tpu.memory_space<semaphore_mem>>)
        } else {
        }
        %dma_wait3A_186 = arith.constant 0 : i32
        %dma_wait3A_187 = arith.constant 0 : i32
        %dma_wait3A_188 = tpu.memref_slice %arg12[%dma_wait3A_186, %dma_wait3A_187] : memref<80x304xf32, #tpu.memory_space<vmem>> -> memref<16x256xf32, #tpu.memory_space<vmem>>
        %dma_wait3A_189 = arith.constant 0 : i32
        %dma_wait3A_190 = tpu.memref_slice %arg8[%dma_wait3A_189] : memref<80xi32, #tpu.memory_space<vmem>> -> memref<16xi32, #tpu.memory_space<vmem>>
        %dma_wait3A_191 = arith.constant 0 : i32
        %dma_wait3A_192 = arith.constant 0 : i32
        %dma_wait3A_193 = tpu.memref_slice %arg2[%dma_wait3A_191, %dma_wait3A_192] : memref<100000x300xf32, #tpu.memory_space<hbm>> -> memref<100000x256xf32, #tpu.memory_space<hbm>>
        tpu.wait_indirect_dma semaphore(%arg13 : memref<!tpu.dma_semaphore, #tpu.memory_space<semaphore_mem>>) src(%dma_wait3A_193 : memref<100000x256xf32, #tpu.memory_space<hbm>>) dst(%dma_wait3A_188 : memref<16x256xf32, #tpu.memory_space<vmem>>)
        %dma_wait3A_194 = arith.constant 0 : i32
        %dma_wait3A_195 = arith.constant 0 : i32
        %dma_wait3A_196 = tpu.memref_slice %arg10[%dma_wait3A_194, %dma_wait3A_195] : memref<80x128xf32, #tpu.memory_space<vmem>> -> memref<16x128xf32, #tpu.memory_space<vmem>>
        %dma_wait3A_197 = arith.constant 0 : i32
        %dma_wait3A_198 = tpu.memref_slice %arg8[%dma_wait3A_197] : memref<80xi32, #tpu.memory_space<vmem>> -> memref<16xi32, #tpu.memory_space<vmem>>
        %dma_wait3A_199 = arith.constant 0 : i32
        %dma_wait3A_200 = arith.constant 0 : i32
        %dma_wait3A_201 = tpu.memref_slice %arg3[%dma_wait3A_199, %dma_wait3A_200] : memref<100000x128xf32, #tpu.memory_space<hbm>> -> memref<100000x128xf32, #tpu.memory_space<hbm>>
        tpu.wait_indirect_dma semaphore(%arg13 : memref<!tpu.dma_semaphore, #tpu.memory_space<semaphore_mem>>) src(%dma_wait3A_201 : memref<100000x128xf32, #tpu.memory_space<hbm>>) dst(%dma_wait3A_196 : memref<16x128xf32, #tpu.memory_space<vmem>>)
        %dma_wait3A_202 = arith.constant 16 : i32
        %dma_wait3A_203 = arith.constant 0 : i32
        %dma_wait3A_204 = tpu.memref_slice %arg12[%dma_wait3A_202, %dma_wait3A_203] : memref<80x304xf32, #tpu.memory_space<vmem>> -> memref<16x256xf32, #tpu.memory_space<vmem>>
        %dma_wait3A_205 = arith.constant 16 : i32
        %dma_wait3A_206 = tpu.memref_slice %arg8[%dma_wait3A_205] : memref<80xi32, #tpu.memory_space<vmem>> -> memref<16xi32, #tpu.memory_space<vmem>>
        %dma_wait3A_207 = arith.constant 0 : i32
        %dma_wait3A_208 = arith.constant 0 : i32
        %dma_wait3A_209 = tpu.memref_slice %arg2[%dma_wait3A_207, %dma_wait3A_208] : memref<100000x300xf32, #tpu.memory_space<hbm>> -> memref<100000x256xf32, #tpu.memory_space<hbm>>
        tpu.wait_indirect_dma semaphore(%arg13 : memref<!tpu.dma_semaphore, #tpu.memory_space<semaphore_mem>>) src(%dma_wait3A_209 : memref<100000x256xf32, #tpu.memory_space<hbm>>) dst(%dma_wait3A_204 : memref<16x256xf32, #tpu.memory_space<vmem>>)
        %dma_wait3A_210 = arith.constant 16 : i32
        %dma_wait3A_211 = arith.constant 0 : i32
        %dma_wait3A_212 = tpu.memref_slice %arg10[%dma_wait3A_210, %dma_wait3A_211] : memref<80x128xf32, #tpu.memory_space<vmem>> -> memref<16x128xf32, #tpu.memory_space<vmem>>
        %dma_wait3A_213 = arith.constant 16 : i32
        %dma_wait3A_214 = tpu.memref_slice %arg8[%dma_wait3A_213] : memref<80xi32, #tpu.memory_space<vmem>> -> memref<16xi32, #tpu.memory_space<vmem>>
        %dma_wait3A_215 = arith.constant 0 : i32
        %dma_wait3A_216 = arith.constant 0 : i32
        %dma_wait3A_217 = tpu.memref_slice %arg3[%dma_wait3A_215, %dma_wait3A_216] : memref<100000x128xf32, #tpu.memory_space<hbm>> -> memref<100000x128xf32, #tpu.memory_space<hbm>>
        tpu.wait_indirect_dma semaphore(%arg13 : memref<!tpu.dma_semaphore, #tpu.memory_space<semaphore_mem>>) src(%dma_wait3A_217 : memref<100000x128xf32, #tpu.memory_space<hbm>>) dst(%dma_wait3A_212 : memref<16x128xf32, #tpu.memory_space<vmem>>)
        %dma_wait3A_218 = arith.constant 32 : i32
        %dma_wait3A_219 = arith.constant 0 : i32
        %dma_wait3A_220 = tpu.memref_slice %arg12[%dma_wait3A_218, %dma_wait3A_219] : memref<80x304xf32, #tpu.memory_space<vmem>> -> memref<16x256xf32, #tpu.memory_space<vmem>>
        %dma_wait3A_221 = arith.constant 32 : i32
        %dma_wait3A_222 = tpu.memref_slice %arg8[%dma_wait3A_221] : memref<80xi32, #tpu.memory_space<vmem>> -> memref<16xi32, #tpu.memory_space<vmem>>
        %dma_wait3A_223 = arith.constant 0 : i32
        %dma_wait3A_224 = arith.constant 0 : i32
        %dma_wait3A_225 = tpu.memref_slice %arg2[%dma_wait3A_223, %dma_wait3A_224] : memref<100000x300xf32, #tpu.memory_space<hbm>> -> memref<100000x256xf32, #tpu.memory_space<hbm>>
        tpu.wait_indirect_dma semaphore(%arg13 : memref<!tpu.dma_semaphore, #tpu.memory_space<semaphore_mem>>) src(%dma_wait3A_225 : memref<100000x256xf32, #tpu.memory_space<hbm>>) dst(%dma_wait3A_220 : memref<16x256xf32, #tpu.memory_space<vmem>>)
        %dma_wait3A_226 = arith.constant 32 : i32
        %dma_wait3A_227 = arith.constant 0 : i32
        %dma_wait3A_228 = tpu.memref_slice %arg10[%dma_wait3A_226, %dma_wait3A_227] : memref<80x128xf32, #tpu.memory_space<vmem>> -> memref<16x128xf32, #tpu.memory_space<vmem>>
        %dma_wait3A_229 = arith.constant 32 : i32
        %dma_wait3A_230 = tpu.memref_slice %arg8[%dma_wait3A_229] : memref<80xi32, #tpu.memory_space<vmem>> -> memref<16xi32, #tpu.memory_space<vmem>>
        %dma_wait3A_231 = arith.constant 0 : i32
        %dma_wait3A_232 = arith.constant 0 : i32
        %dma_wait3A_233 = tpu.memref_slice %arg3[%dma_wait3A_231, %dma_wait3A_232] : memref<100000x128xf32, #tpu.memory_space<hbm>> -> memref<100000x128xf32, #tpu.memory_space<hbm>>
        tpu.wait_indirect_dma semaphore(%arg13 : memref<!tpu.dma_semaphore, #tpu.memory_space<semaphore_mem>>) src(%dma_wait3A_233 : memref<100000x128xf32, #tpu.memory_space<hbm>>) dst(%dma_wait3A_228 : memref<16x128xf32, #tpu.memory_space<vmem>>)
        %dma_wait3A_234 = arith.constant 48 : i32
        %dma_wait3A_235 = arith.constant 0 : i32
        %dma_wait3A_236 = tpu.memref_slice %arg12[%dma_wait3A_234, %dma_wait3A_235] : memref<80x304xf32, #tpu.memory_space<vmem>> -> memref<16x256xf32, #tpu.memory_space<vmem>>
        %dma_wait3A_237 = arith.constant 48 : i32
        %dma_wait3A_238 = tpu.memref_slice %arg8[%dma_wait3A_237] : memref<80xi32, #tpu.memory_space<vmem>> -> memref<16xi32, #tpu.memory_space<vmem>>
        %dma_wait3A_239 = arith.constant 0 : i32
        %dma_wait3A_240 = arith.constant 0 : i32
        %dma_wait3A_241 = tpu.memref_slice %arg2[%dma_wait3A_239, %dma_wait3A_240] : memref<100000x300xf32, #tpu.memory_space<hbm>> -> memref<100000x256xf32, #tpu.memory_space<hbm>>
        tpu.wait_indirect_dma semaphore(%arg13 : memref<!tpu.dma_semaphore, #tpu.memory_space<semaphore_mem>>) src(%dma_wait3A_241 : memref<100000x256xf32, #tpu.memory_space<hbm>>) dst(%dma_wait3A_236 : memref<16x256xf32, #tpu.memory_space<vmem>>)
        %dma_wait3A_242 = arith.constant 48 : i32
        %dma_wait3A_243 = arith.constant 0 : i32
        %dma_wait3A_244 = tpu.memref_slice %arg10[%dma_wait3A_242, %dma_wait3A_243] : memref<80x128xf32, #tpu.memory_space<vmem>> -> memref<16x128xf32, #tpu.memory_space<vmem>>
        %dma_wait3A_245 = arith.constant 48 : i32
        %dma_wait3A_246 = tpu.memref_slice %arg8[%dma_wait3A_245] : memref<80xi32, #tpu.memory_space<vmem>> -> memref<16xi32, #tpu.memory_space<vmem>>
        %dma_wait3A_247 = arith.constant 0 : i32
        %dma_wait3A_248 = arith.constant 0 : i32
        %dma_wait3A_249 = tpu.memref_slice %arg3[%dma_wait3A_247, %dma_wait3A_248] : memref<100000x128xf32, #tpu.memory_space<hbm>> -> memref<100000x128xf32, #tpu.memory_space<hbm>>
        tpu.wait_indirect_dma semaphore(%arg13 : memref<!tpu.dma_semaphore, #tpu.memory_space<semaphore_mem>>) src(%dma_wait3A_249 : memref<100000x128xf32, #tpu.memory_space<hbm>>) dst(%dma_wait3A_244 : memref<16x128xf32, #tpu.memory_space<vmem>>)
        %dma_wait3A_250 = arith.constant 64 : i32
        %dma_wait3A_251 = arith.constant 0 : i32
        %dma_wait3A_252 = tpu.memref_slice %arg12[%dma_wait3A_250, %dma_wait3A_251] : memref<80x304xf32, #tpu.memory_space<vmem>> -> memref<16x256xf32, #tpu.memory_space<vmem>>
        %dma_wait3A_253 = arith.constant 64 : i32
        %dma_wait3A_254 = tpu.memref_slice %arg8[%dma_wait3A_253] : memref<80xi32, #tpu.memory_space<vmem>> -> memref<16xi32, #tpu.memory_space<vmem>>
        %dma_wait3A_255 = arith.constant 0 : i32
        %dma_wait3A_256 = arith.constant 0 : i32
        %dma_wait3A_257 = tpu.memref_slice %arg2[%dma_wait3A_255, %dma_wait3A_256] : memref<100000x300xf32, #tpu.memory_space<hbm>> -> memref<100000x256xf32, #tpu.memory_space<hbm>>
        tpu.wait_indirect_dma semaphore(%arg13 : memref<!tpu.dma_semaphore, #tpu.memory_space<semaphore_mem>>) src(%dma_wait3A_257 : memref<100000x256xf32, #tpu.memory_space<hbm>>) dst(%dma_wait3A_252 : memref<16x256xf32, #tpu.memory_space<vmem>>)
        %dma_wait3A_258 = arith.constant 64 : i32
        %dma_wait3A_259 = arith.constant 0 : i32
        %dma_wait3A_260 = tpu.memref_slice %arg10[%dma_wait3A_258, %dma_wait3A_259] : memref<80x128xf32, #tpu.memory_space<vmem>> -> memref<16x128xf32, #tpu.memory_space<vmem>>
        %dma_wait3A_261 = arith.constant 64 : i32
        %dma_wait3A_262 = tpu.memref_slice %arg8[%dma_wait3A_261] : memref<80xi32, #tpu.memory_space<vmem>> -> memref<16xi32, #tpu.memory_space<vmem>>
        %dma_wait3A_263 = arith.constant 0 : i32
        %dma_wait3A_264 = arith.constant 0 : i32
        %dma_wait3A_265 = tpu.memref_slice %arg3[%dma_wait3A_263, %dma_wait3A_264] : memref<100000x128xf32, #tpu.memory_space<hbm>> -> memref<100000x128xf32, #tpu.memory_space<hbm>>
        tpu.wait_indirect_dma semaphore(%arg13 : memref<!tpu.dma_semaphore, #tpu.memory_space<semaphore_mem>>) src(%dma_wait3A_265 : memref<100000x128xf32, #tpu.memory_space<hbm>>) dst(%dma_wait3A_260 : memref<16x128xf32, #tpu.memory_space<vmem>>)
      } else {
      }
      %scan3A_52 = arith.constant 0 : i32
      scf.yield %scan3A_52 : i32
    }
    %scan3A_9 = arith.constant 32 : i32
    %scan3A_10 = arith.constant 0 : i32
    %scan3A_11 = arith.constant 0 : i32
    %scan3A_12 = arith.constant 80 : i32
    %scan3A_13 = arith.addi %scan3A_11, %scan3A_12 : i32
    %scan3A_14 = arith.constant 1 : i32
    %scan3A_15 = scf.for %scan3A_40 = %scan3A_11 to %scan3A_13 step %scan3A_14 iter_args(%scan3A_41 = %scan3A_10) -> (i32)  : i32 {
      %get3A = arith.index_cast %scan3A_40 : i32 to index
      %get3A_42 = arith.constant 0 : index
      %get3A_43 = tpu.vector_load %arg10[%get3A, %get3A_42] {strides = array<i32>} : memref<80x128xf32, #tpu.memory_space<vmem>>, vector<16xf32>,
      %swap3A = arith.index_cast %scan3A_40 : i32 to index
      %swap3A_44 = arith.constant 256 : index
      %swap3A_45 = tpu.vector_load %arg12[%swap3A, %swap3A_44] {strides = array<i32>} : memref<80x304xf32, #tpu.memory_space<vmem>>, vector<16xf32>,
      tpu.vector_store %arg12[%swap3A, %swap3A_44], %get3A_43 {strides = array<i32>} : memref<80x304xf32, #tpu.memory_space<vmem>>, vector<16xf32>,
      %get3A_46 = arith.index_cast %scan3A_40 : i32 to index
      %get3A_47 = arith.constant 16 : index
      %get3A_48 = tpu.vector_load %arg10[%get3A_46, %get3A_47] {strides = array<i32>} : memref<80x128xf32, #tpu.memory_space<vmem>>, vector<16xf32>,
      %swap3A_49 = arith.index_cast %scan3A_40 : i32 to index
      %swap3A_50 = arith.constant 272 : index
      %swap3A_51 = tpu.vector_load %arg12[%swap3A_49, %swap3A_50] {strides = array<i32>} : memref<80x304xf32, #tpu.memory_space<vmem>>, vector<16xf32>,
      tpu.vector_store %arg12[%swap3A_49, %swap3A_50], %get3A_48 {strides = array<i32>} : memref<80x304xf32, #tpu.memory_space<vmem>>, vector<16xf32>,
      %get3A_52 = arith.index_cast %scan3A_40 : i32 to index
      %get3A_53 = arith.constant 32 : index
      %get3A_54 = tpu.vector_load %arg10[%get3A_52, %get3A_53] {strides = array<i32>} : memref<80x128xf32, #tpu.memory_space<vmem>>, vector<16xf32>,
      %swap3A_55 = arith.index_cast %scan3A_40 : i32 to index
      %swap3A_56 = arith.constant 288 : index
      %swap3A_57 = tpu.vector_load %arg12[%swap3A_55, %swap3A_56] {strides = array<i32>} : memref<80x304xf32, #tpu.memory_space<vmem>>, vector<16xf32>,
      tpu.vector_store %arg12[%swap3A_55, %swap3A_56], %get3A_54 {strides = array<i32>} : memref<80x304xf32, #tpu.memory_space<vmem>>, vector<16xf32>,
      %scan3A_58 = arith.constant 0 : i32
      scf.yield %scan3A_58 : i32
    }
    %scan3A_16 = arith.constant 80 : i32
    %scan3A_17 = arith.constant 0 : i32
    %scan3A_18 = arith.constant 0 : i32
    %scan3A_19 = arith.constant 5 : i32
    %scan3A_20 = arith.addi %scan3A_18, %scan3A_19 : i32
    %scan3A_21 = arith.constant 1 : i32
    %scan3A_22 = scf.for %scan3A_40 = %scan3A_18 to %scan3A_20 step %scan3A_21 iter_args(%scan3A_41 = %scan3A_17) -> (i32)  : i32 {
      %mul3A_42 = arith.constant 16 : i32
      %mul3A_43 = arith.muli %scan3A_40, %mul3A_42 : i32
      %add3A_44 = arith.constant 2480 : i32
      %add3A_45 = arith.addi %add3A_44, %mul3A_43 : i32
      %get3A = arith.index_cast %add3A_45 : i32 to index
      %get3A_46 = tpu.vector_load %arg6[%get3A] {strides = array<i32>} : memref<2576xi32, #tpu.memory_space<vmem>>, vector<16xi32>,
      %ge3A = arith.constant 100000 : i32
      %ge3A_47 = vector.broadcast %ge3A : i32 to vector<16xi32>
      %ge3A_48 = arith.cmpi sge, %get3A_46, %ge3A_47 : vector<16xi32>
      %all_reduce_population_count3A = tpu.all_reduce %ge3A_48 {dim = 0 : i64, kind = #tpu.reduction_kind<sum>} : vector<16xi1> -> vector<16xi32>
      %slice3A = vector.extract_strided_slice %all_reduce_population_count3A {offsets = [0], sizes = [1], strides = [1]} : vector<16xi32> to vector<1xi32>
      %squeeze3A = vector.extract %slice3A[0] : i32 from vector<1xi32>
      %gt3A = arith.constant 0 : i32
      %gt3A_49 = arith.cmpi sgt, %squeeze3A, %gt3A : i32
      %convert_element_type3A = arith.extui %gt3A_49 : i1 to i32
      %cond3A = arith.constant 0 : i32
      %cond3A_50 = arith.cmpi ne, %convert_element_type3A, %cond3A : i32
      scf.if %cond3A_50 {
        %scan3A_52 = arith.constant 0 : i32
        %scan3A_53 = arith.constant 0 : i32
        %scan3A_54 = arith.constant 16 : i32
        %scan3A_55 = arith.addi %scan3A_53, %scan3A_54 : i32
        %scan3A_56 = arith.constant 1 : i32
        %scan3A_57 = scf.for %scan3A_59 = %scan3A_53 to %scan3A_55 step %scan3A_56 iter_args(%scan3A_60 = %scan3A_52) -> (i32)  : i32 {
          %mul3A_61 = arith.constant 16 : i32
          %mul3A_62 = arith.muli %scan3A_40, %mul3A_61 : i32
          %add3A_63 = arith.constant 2480 : i32
          %add3A_64 = arith.addi %add3A_63, %mul3A_62 : i32
          %add3A_65 = arith.addi %add3A_64, %scan3A_59 : i32
          %get3A_66 = arith.index_cast %add3A_65 : i32 to index
          %get3A_67 = tpu.vector_load %arg6[%get3A_66] {strides = array<i32>} : memref<2576xi32, #tpu.memory_space<vmem>>, vector<16xi32>,
          %slice3A_68 = vector.extract_strided_slice %get3A_67 {offsets = [0], sizes = [1], strides = [1]} : vector<16xi32> to vector<1xi32>
          %squeeze3A_69 = vector.extract %slice3A_68[0] : i32 from vector<1xi32>
          %ge3A_70 = arith.constant 100000 : i32
          %ge3A_71 = arith.cmpi sge, %squeeze3A_69, %ge3A_70 : i32
          %convert_element_type3A_72 = arith.extui %ge3A_71 : i1 to i32
          %cond3A_73 = arith.constant 0 : i32
          %cond3A_74 = arith.cmpi ne, %convert_element_type3A_72, %cond3A_73 : i32
          scf.if %cond3A_74 {
            %mul3A_76 = arith.constant 16 : i32
            %mul3A_77 = arith.muli %scan3A_40, %mul3A_76 : i32
            %add3A_78 = arith.addi %mul3A_77, %scan3A_59 : i32
            %swap3A = arith.index_cast %add3A_78 : i32 to index
            %swap3A_79 = arith.constant 0 : index
            %swap3A_80 = tpu.vector_load %arg12[%swap3A, %swap3A_79] {strides = array<i32>} : memref<80x304xf32, #tpu.memory_space<vmem>>, vector<16xf32>,
            tpu.vector_store %arg12[%swap3A, %swap3A_79], %broadcast_in_dim3A_3 {strides = array<i32>} : memref<80x304xf32, #tpu.memory_space<vmem>>, vector<16xf32>,
            %mul3A_81 = arith.constant 16 : i32
            %mul3A_82 = arith.muli %scan3A_40, %mul3A_81 : i32
            %add3A_83 = arith.addi %mul3A_82, %scan3A_59 : i32
            %swap3A_84 = arith.index_cast %add3A_83 : i32 to index
            %swap3A_85 = arith.constant 16 : index
            %swap3A_86 = tpu.vector_load %arg12[%swap3A_84, %swap3A_85] {strides = array<i32>} : memref<80x304xf32, #tpu.memory_space<vmem>>, vector<16xf32>,
            tpu.vector_store %arg12[%swap3A_84, %swap3A_85], %broadcast_in_dim3A_3 {strides = array<i32>} : memref<80x304xf32, #tpu.memory_space<vmem>>, vector<16xf32>,
            %mul3A_87 = arith.constant 16 : i32
            %mul3A_88 = arith.muli %scan3A_40, %mul3A_87 : i32
            %add3A_89 = arith.addi %mul3A_88, %scan3A_59 : i32
            %swap3A_90 = arith.index_cast %add3A_89 : i32 to index
            %swap3A_91 = arith.constant 32 : index
            %swap3A_92 = tpu.vector_load %arg12[%swap3A_90, %swap3A_91] {strides = array<i32>} : memref<80x304xf32, #tpu.memory_space<vmem>>, vector<16xf32>,
            tpu.vector_store %arg12[%swap3A_90, %swap3A_91], %broadcast_in_dim3A_3 {strides = array<i32>} : memref<80x304xf32, #tpu.memory_space<vmem>>, vector<16xf32>,
            %mul3A_93 = arith.constant 16 : i32
            %mul3A_94 = arith.muli %scan3A_40, %mul3A_93 : i32
            %add3A_95 = arith.addi %mul3A_94, %scan3A_59 : i32
            %swap3A_96 = arith.index_cast %add3A_95 : i32 to index
            %swap3A_97 = arith.constant 48 : index
            %swap3A_98 = tpu.vector_load %arg12[%swap3A_96, %swap3A_97] {strides = array<i32>} : memref<80x304xf32, #tpu.memory_space<vmem>>, vector<16xf32>,
            tpu.vector_store %arg12[%swap3A_96, %swap3A_97], %broadcast_in_dim3A_3 {strides = array<i32>} : memref<80x304xf32, #tpu.memory_space<vmem>>, vector<16xf32>,
            %mul3A_99 = arith.constant 16 : i32
            %mul3A_100 = arith.muli %scan3A_40, %mul3A_99 : i32
            %add3A_101 = arith.addi %mul3A_100, %scan3A_59 : i32
            %swap3A_102 = arith.index_cast %add3A_101 : i32 to index
            %swap3A_103 = arith.constant 64 : index
            %swap3A_104 = tpu.vector_load %arg12[%swap3A_102, %swap3A_103] {strides = array<i32>} : memref<80x304xf32, #tpu.memory_space<vmem>>, vector<16xf32>,
            tpu.vector_store %arg12[%swap3A_102, %swap3A_103], %broadcast_in_dim3A_3 {strides = array<i32>} : memref<80x304xf32, #tpu.memory_space<vmem>>, vector<16xf32>,
            %mul3A_105 = arith.constant 16 : i32
            %mul3A_106 = arith.muli %scan3A_40, %mul3A_105 : i32
            %add3A_107 = arith.addi %mul3A_106, %scan3A_59 : i32
            %swap3A_108 = arith.index_cast %add3A_107 : i32 to index
            %swap3A_109 = arith.constant 80 : index
            %swap3A_110 = tpu.vector_load %arg12[%swap3A_108, %swap3A_109] {strides = array<i32>} : memref<80x304xf32, #tpu.memory_space<vmem>>, vector<16xf32>,
            tpu.vector_store %arg12[%swap3A_108, %swap3A_109], %broadcast_in_dim3A_3 {strides = array<i32>} : memref<80x304xf32, #tpu.memory_space<vmem>>, vector<16xf32>,
            %mul3A_111 = arith.constant 16 : i32
            %mul3A_112 = arith.muli %scan3A_40, %mul3A_111 : i32
            %add3A_113 = arith.addi %mul3A_112, %scan3A_59 : i32
            %swap3A_114 = arith.index_cast %add3A_113 : i32 to index
            %swap3A_115 = arith.constant 96 : index
            %swap3A_116 = tpu.vector_load %arg12[%swap3A_114, %swap3A_115] {strides = array<i32>} : memref<80x304xf32, #tpu.memory_space<vmem>>, vector<16xf32>,
            tpu.vector_store %arg12[%swap3A_114, %swap3A_115], %broadcast_in_dim3A_3 {strides = array<i32>} : memref<80x304xf32, #tpu.memory_space<vmem>>, vector<16xf32>,
            %mul3A_117 = arith.constant 16 : i32
            %mul3A_118 = arith.muli %scan3A_40, %mul3A_117 : i32
            %add3A_119 = arith.addi %mul3A_118, %scan3A_59 : i32
            %swap3A_120 = arith.index_cast %add3A_119 : i32 to index
            %swap3A_121 = arith.constant 112 : index
            %swap3A_122 = tpu.vector_load %arg12[%swap3A_120, %swap3A_121] {strides = array<i32>} : memref<80x304xf32, #tpu.memory_space<vmem>>, vector<16xf32>,
            tpu.vector_store %arg12[%swap3A_120, %swap3A_121], %broadcast_in_dim3A_3 {strides = array<i32>} : memref<80x304xf32, #tpu.memory_space<vmem>>, vector<16xf32>,
            %mul3A_123 = arith.constant 16 : i32
            %mul3A_124 = arith.muli %scan3A_40, %mul3A_123 : i32
            %add3A_125 = arith.addi %mul3A_124, %scan3A_59 : i32
            %swap3A_126 = arith.index_cast %add3A_125 : i32 to index
            %swap3A_127 = arith.constant 128 : index
            %swap3A_128 = tpu.vector_load %arg12[%swap3A_126, %swap3A_127] {strides = array<i32>} : memref<80x304xf32, #tpu.memory_space<vmem>>, vector<16xf32>,
            tpu.vector_store %arg12[%swap3A_126, %swap3A_127], %broadcast_in_dim3A_3 {strides = array<i32>} : memref<80x304xf32, #tpu.memory_space<vmem>>, vector<16xf32>,
            %mul3A_129 = arith.constant 16 : i32
            %mul3A_130 = arith.muli %scan3A_40, %mul3A_129 : i32
            %add3A_131 = arith.addi %mul3A_130, %scan3A_59 : i32
            %swap3A_132 = arith.index_cast %add3A_131 : i32 to index
            %swap3A_133 = arith.constant 144 : index
            %swap3A_134 = tpu.vector_load %arg12[%swap3A_132, %swap3A_133] {strides = array<i32>} : memref<80x304xf32, #tpu.memory_space<vmem>>, vector<16xf32>,
            tpu.vector_store %arg12[%swap3A_132, %swap3A_133], %broadcast_in_dim3A_3 {strides = array<i32>} : memref<80x304xf32, #tpu.memory_space<vmem>>, vector<16xf32>,
            %mul3A_135 = arith.constant 16 : i32
            %mul3A_136 = arith.muli %scan3A_40, %mul3A_135 : i32
            %add3A_137 = arith.addi %mul3A_136, %scan3A_59 : i32
            %swap3A_138 = arith.index_cast %add3A_137 : i32 to index
            %swap3A_139 = arith.constant 160 : index
            %swap3A_140 = tpu.vector_load %arg12[%swap3A_138, %swap3A_139] {strides = array<i32>} : memref<80x304xf32, #tpu.memory_space<vmem>>, vector<16xf32>,
            tpu.vector_store %arg12[%swap3A_138, %swap3A_139], %broadcast_in_dim3A_3 {strides = array<i32>} : memref<80x304xf32, #tpu.memory_space<vmem>>, vector<16xf32>,
            %mul3A_141 = arith.constant 16 : i32
            %mul3A_142 = arith.muli %scan3A_40, %mul3A_141 : i32
            %add3A_143 = arith.addi %mul3A_142, %scan3A_59 : i32
            %swap3A_144 = arith.index_cast %add3A_143 : i32 to index
            %swap3A_145 = arith.constant 176 : index
            %swap3A_146 = tpu.vector_load %arg12[%swap3A_144, %swap3A_145] {strides = array<i32>} : memref<80x304xf32, #tpu.memory_space<vmem>>, vector<16xf32>,
            tpu.vector_store %arg12[%swap3A_144, %swap3A_145], %broadcast_in_dim3A_3 {strides = array<i32>} : memref<80x304xf32, #tpu.memory_space<vmem>>, vector<16xf32>,
            %mul3A_147 = arith.constant 16 : i32
            %mul3A_148 = arith.muli %scan3A_40, %mul3A_147 : i32
            %add3A_149 = arith.addi %mul3A_148, %scan3A_59 : i32
            %swap3A_150 = arith.index_cast %add3A_149 : i32 to index
            %swap3A_151 = arith.constant 192 : index
            %swap3A_152 = tpu.vector_load %arg12[%swap3A_150, %swap3A_151] {strides = array<i32>} : memref<80x304xf32, #tpu.memory_space<vmem>>, vector<16xf32>,
            tpu.vector_store %arg12[%swap3A_150, %swap3A_151], %broadcast_in_dim3A_3 {strides = array<i32>} : memref<80x304xf32, #tpu.memory_space<vmem>>, vector<16xf32>,
            %mul3A_153 = arith.constant 16 : i32
            %mul3A_154 = arith.muli %scan3A_40, %mul3A_153 : i32
            %add3A_155 = arith.addi %mul3A_154, %scan3A_59 : i32
            %swap3A_156 = arith.index_cast %add3A_155 : i32 to index
            %swap3A_157 = arith.constant 208 : index
            %swap3A_158 = tpu.vector_load %arg12[%swap3A_156, %swap3A_157] {strides = array<i32>} : memref<80x304xf32, #tpu.memory_space<vmem>>, vector<16xf32>,
            tpu.vector_store %arg12[%swap3A_156, %swap3A_157], %broadcast_in_dim3A_3 {strides = array<i32>} : memref<80x304xf32, #tpu.memory_space<vmem>>, vector<16xf32>,
            %mul3A_159 = arith.constant 16 : i32
            %mul3A_160 = arith.muli %scan3A_40, %mul3A_159 : i32
            %add3A_161 = arith.addi %mul3A_160, %scan3A_59 : i32
            %swap3A_162 = arith.index_cast %add3A_161 : i32 to index
            %swap3A_163 = arith.constant 224 : index
            %swap3A_164 = tpu.vector_load %arg12[%swap3A_162, %swap3A_163] {strides = array<i32>} : memref<80x304xf32, #tpu.memory_space<vmem>>, vector<16xf32>,
            tpu.vector_store %arg12[%swap3A_162, %swap3A_163], %broadcast_in_dim3A_3 {strides = array<i32>} : memref<80x304xf32, #tpu.memory_space<vmem>>, vector<16xf32>,
            %mul3A_165 = arith.constant 16 : i32
            %mul3A_166 = arith.muli %scan3A_40, %mul3A_165 : i32
            %add3A_167 = arith.addi %mul3A_166, %scan3A_59 : i32
            %swap3A_168 = arith.index_cast %add3A_167 : i32 to index
            %swap3A_169 = arith.constant 240 : index
            %swap3A_170 = tpu.vector_load %arg12[%swap3A_168, %swap3A_169] {strides = array<i32>} : memref<80x304xf32, #tpu.memory_space<vmem>>, vector<16xf32>,
            tpu.vector_store %arg12[%swap3A_168, %swap3A_169], %broadcast_in_dim3A_3 {strides = array<i32>} : memref<80x304xf32, #tpu.memory_space<vmem>>, vector<16xf32>,
            %mul3A_171 = arith.constant 16 : i32
            %mul3A_172 = arith.muli %scan3A_40, %mul3A_171 : i32
            %add3A_173 = arith.addi %mul3A_172, %scan3A_59 : i32
            %swap3A_174 = arith.index_cast %add3A_173 : i32 to index
            %swap3A_175 = arith.constant 256 : index
            %swap3A_176 = tpu.vector_load %arg12[%swap3A_174, %swap3A_175] {strides = array<i32>} : memref<80x304xf32, #tpu.memory_space<vmem>>, vector<16xf32>,
            tpu.vector_store %arg12[%swap3A_174, %swap3A_175], %broadcast_in_dim3A_3 {strides = array<i32>} : memref<80x304xf32, #tpu.memory_space<vmem>>, vector<16xf32>,
            %mul3A_177 = arith.constant 16 : i32
            %mul3A_178 = arith.muli %scan3A_40, %mul3A_177 : i32
            %add3A_179 = arith.addi %mul3A_178, %scan3A_59 : i32
            %swap3A_180 = arith.index_cast %add3A_179 : i32 to index
            %swap3A_181 = arith.constant 272 : index
            %swap3A_182 = tpu.vector_load %arg12[%swap3A_180, %swap3A_181] {strides = array<i32>} : memref<80x304xf32, #tpu.memory_space<vmem>>, vector<16xf32>,
            tpu.vector_store %arg12[%swap3A_180, %swap3A_181], %broadcast_in_dim3A_3 {strides = array<i32>} : memref<80x304xf32, #tpu.memory_space<vmem>>, vector<16xf32>,
            %mul3A_183 = arith.constant 16 : i32
            %mul3A_184 = arith.muli %scan3A_40, %mul3A_183 : i32
            %add3A_185 = arith.addi %mul3A_184, %scan3A_59 : i32
            %swap3A_186 = arith.index_cast %add3A_185 : i32 to index
            %swap3A_187 = arith.constant 288 : index
            %swap3A_188 = tpu.vector_load %arg12[%swap3A_186, %swap3A_187] {strides = array<i32>} : memref<80x304xf32, #tpu.memory_space<vmem>>, vector<16xf32>,
            tpu.vector_store %arg12[%swap3A_186, %swap3A_187], %broadcast_in_dim3A_3 {strides = array<i32>} : memref<80x304xf32, #tpu.memory_space<vmem>>, vector<16xf32>,
          } else {
          }
          %scan3A_75 = arith.constant 0 : i32
          scf.yield %scan3A_75 : i32
        }
        %scan3A_58 = arith.constant 16 : i32
      } else {
      }
      %scan3A_51 = arith.constant 0 : i32
      scf.yield %scan3A_51 : i32
    }
    %scan3A_23 = arith.constant 5 : i32
    %add3A_24 = arith.constant 2480 : i32
    %add3A_25 = arith.addi %mul3A_2, %add3A_24 : i32
    %dma_start3A = arith.constant 0 : i32
    %dma_start3A_26 = tpu.memref_slice %arg5[%add3A_25, %dma_start3A] : memref<81920x304xf32, #tpu.memory_space<hbm>> -> memref<80x304xf32, #tpu.memory_space<hbm>>
    %dma_start3A_27 = arith.constant 0 : i32
    %dma_start3A_28 = tpu.memref_slice %arg5[%add3A_25, %dma_start3A_27] : memref<81920x304xf32, #tpu.memory_space<hbm>> -> memref<80x304xf32, #tpu.memory_space<hbm>>
    tpu.enqueue_dma source(%arg12 : memref<80x304xf32, #tpu.memory_space<vmem>>) target(%dma_start3A_28 : memref<80x304xf32, #tpu.memory_space<hbm>>) target_semaphore(%arg15 : memref<!tpu.dma_semaphore, #tpu.memory_space<semaphore_mem>>)
    %add3A_29 = arith.constant 2400 : i32
    %add3A_30 = arith.addi %mul3A_2, %add3A_29 : i32
    %dma_wait3A = arith.constant 0 : i32
    %dma_wait3A_31 = tpu.memref_slice %arg5[%add3A_30, %dma_wait3A] : memref<81920x304xf32, #tpu.memory_space<hbm>> -> memref<80x304xf32, #tpu.memory_space<hbm>>
    %dma_wait3A_32 = arith.constant 0 : i32
    %dma_wait3A_33 = tpu.memref_slice %arg5[%add3A_30, %dma_wait3A_32] : memref<81920x304xf32, #tpu.memory_space<hbm>> -> memref<80x304xf32, #tpu.memory_space<hbm>>
    tpu.wait_dma2 semaphore(%arg14 : memref<!tpu.dma_semaphore, #tpu.memory_space<semaphore_mem>>) src(%arg11 : memref<80x304xf32, #tpu.memory_space<vmem>>) dst(%dma_wait3A_33 : memref<80x304xf32, #tpu.memory_space<hbm>>)
    %add3A_34 = arith.constant 2480 : i32
    %add3A_35 = arith.addi %mul3A_2, %add3A_34 : i32
    %dma_wait3A_36 = arith.constant 0 : i32
    %dma_wait3A_37 = tpu.memref_slice %arg5[%add3A_35, %dma_wait3A_36] : memref<81920x304xf32, #tpu.memory_space<hbm>> -> memref<80x304xf32, #tpu.memory_space<hbm>>
    %dma_wait3A_38 = arith.constant 0 : i32
    %dma_wait3A_39 = tpu.memref_slice %arg5[%add3A_35, %dma_wait3A_38] : memref<81920x304xf32, #tpu.memory_space<hbm>> -> memref<80x304xf32, #tpu.memory_space<hbm>>
    tpu.wait_dma2 semaphore(%arg15 : memref<!tpu.dma_semaphore, #tpu.memory_space<semaphore_mem>>) src(%arg12 : memref<80x304xf32, #tpu.memory_space<vmem>>) dst(%dma_wait3A_39 : memref<80x304xf32, #tpu.memory_space<hbm>>)
    return
  }
}

</mosaic_0001>

<sc_bundles>
// kernel: kernel.3.cloned.1.call-start
scs
__scs_entry_jumppad:
0x0: {  	(pc) =	sbr.rel $0x88, $3  }
0x1: {  	(tag) =	ssettag $0x0;
	lr =	simm.s32 $0x1  }
0x2: {  	[smem:$0x3F9F] =	sst lr;
	_ =	strace $0xD0000000  }
0x3: {  	_ = 	snop  }
0x4: {  	_ = 	snop  }
0x5: {  	_ = 	snop  }
0x6: {  	_ = 	snop  }
0x7: {  	_ = 	snop  }
__scs_overlays_trampoline_lowered:
0x8: {  	[smem:$0x3FAE] =	sst s0  }
0x9: {  	[smem:$0x3FAF] =	sst s1  }
0xa: {  	[smem:$0x3FB0] =	sst s2  }
0xb: {  	[smem:$0x3FB1] =	sst s3  }
0xc: {  	[smem:$0x3FB2] =	sst s4  }
0xd: {  	[smem:$0x3FB3] =	sst s5  }
0xe: {  	[smem:$0x3FB4] =	sst s6  }
0xf: {  	[smem:$0x3FB5] =	sst s7  }
0x10: {  	[smem:$0x3FB6] =	sst s8  }
0x11: {  	[smem:$0x3FB7] =	sst s9;
	s0 =	simm.s32 @!p0 $0x0  }
0x12: {  	s1 =	sld [smem:$0x3F9D];
	s0 =	simm.s32 @p0 $0x1  }
0x13: {  	[smem:$0x3FB8] =	sst s0;
	s0 =	simm.s32 @!p1 $0x0  }
0x14: {  	s2 =	sld [smem:$0x3F9C];
	s0 =	simm.s32 @p1 $0x1  }
0x15: {  	[smem:$0x3FB9] =	sst s0;
	s0 =	simm.s32 @!p2 $0x0  }
0x16: {  	s3 =	sld [smem:$0x3FDB];
	s0 =	simm.s32 @p2 $0x1  }
0x17: {  	s4 =	simm.s32 $0x1BF5;
	[smem:$0x3FBB] =	sst s0  }
0x18: {  	s0 =	sld [smem:$0x3F9E];
	_ =	swait.ge [sflag:s4], $0x0  }
0x19: {  	s7 =	sld [smem:$0x3F9F]  }
0x1a: {  	s8 =	sadd.s32 $0xFFFFE003, lr  }
0x1b: {  	s9 =	sadd.s32 $0xFFFFFEF7, lr;
	s5 =	simm.s32 $0xFFFFFFFF;
	p2 =	slt.u32 s8, $0xFFFFF086  }
0x1c: {  	p1 =	slt.u32 s9, $0xF7A;
	s5 =	simm.s32 @!p2 $0x0  }
0x1d: {  	s5 =	simm.s32 @p1 $0x1;
	p0 =	seq.s32 s7, s2  }
0x1e: {  	s7 =	smul.u32 @!p0 $0xF7A, s2;
	p2 =	seq.s32 @!p0 s5, $0x0  }
0x1f: {  	s9 =	smul.u32 $0xF7A, s1;
	s8 =	simm.s32 @!p0 $0x1BF5;
	p2 =	por !p2, p0  }
0x20: {  	[sflag:s8] =	ssyncset.s32 @!p0 $0xFFFFF086;
	s6 =	sadd.s32 @!p0 s3, s7;
	s7 =	simm.s32 @!p0 $0x108  }
0x21: {  	s3 =	sadd.s32 s3, s9;
	s6 =	sadd.s32 @!p0 $0x88, s6;
	s7 =	simm.s32 @p2 $0x1082  }
0x22: {  	[simem:s7], [sflag:s8] =	dma.local @!p0 [hbm:s6], $0xF7A  }
0x23: {  	s9 =	sor.u32 $0xD0000000, s2;
	s6 =	simm.s32 $0x108;
	_ =	swait.ge @!p0 [sflag:s8], $0x0  }
0x24: {  	s3 =	sadd.s32 $0x88, s3;
	s6 =	simm.s32 @!p1 $0x1082;
	[sflag:s4] =	ssyncset.s32 $0xFFFFF086  }
0x25: {  	[simem:s6], [sflag:s4] =	dma.local [hbm:s3], $0xF7A  }
0x26: {  	[smem:$0x3F9F] =	sst s1;
	(tag) =	ssettag s2;
	_ =	strace s9  }
0x27: {  	s1 =	sld [smem:$0x3FAF]  }
0x28: {  	s2 =	sld [smem:$0x3FB0]  }
0x29: {  	s4 =	sld [smem:$0x3FB2]  }
0x2a: {  	p0 =	seq.s32 s5, $0x0;
	s5 =	sld [smem:$0x3FB3]  }
0x2b: {  	s6 =	sld [smem:$0x3FB4]  }
0x2c: {  	s7 =	sld [smem:$0x3FB5]  }
0x2d: {  	s3 =	simm.s32 $0x108;
	s8 =	sld [smem:$0x3FB6]  }
0x2e: {  	s3 =	simm.s32 @!p0 $0x1082;
	s9 =	sld [smem:$0x3FB7]  }
0x2f: {  	lr =	sadd.s32 s0, s3;
	s0 =	sld [smem:$0x3FAE]  }
0x30: {  	s3 =	sld [smem:$0x3FB1]  }
0x31: {  	[smem:$0x3FBA] =	sst s10  }
0x32: {  	s10 =	sld [smem:$0x3FB8];
	_ =	sdelay $0x3  }
0x33: {  	p0 =	seq.s32 s10, $0x1;
	s10 =	sld [smem:$0x3FBA];
	_ =	sdelay $0x3  }
0x34: {  	[smem:$0x3FBA] =	sst s10  }
0x35: {  	s10 =	sld [smem:$0x3FB9];
	_ =	sdelay $0x3  }
0x36: {  	p1 =	seq.s32 s10, $0x1;
	s10 =	sld [smem:$0x3FBA];
	_ =	sdelay $0x3  }
0x37: {  	[smem:$0x3FBA] =	sst s10  }
0x38: {  	s10 =	sld [smem:$0x3FBB]  }
0x39: {  	_ = 	snop;
	(pc) =	sbr.ind lr, $3  }
0x3a: {  	_ = 	snop  }
0x3b: {  	_ = 	snop  }
0x3c: {  	p2 =	seq.s32 s10, $0x1;
	s10 =	sld [smem:$0x3FBA]  }
0x3d: {  	_ =	shalt  }
0x3e: {  	_ =	shalt  }
0x3f: {  	_ =	shalt  }
0x40: {  	_ =	shalt  }
0x41: {  	_ =	shalt  }
0x42: {  	_ =	shalt  }
0x43: {  	_ =	shalt  }
0x44: {  	_ =	shalt  }
0x45: {  	_ =	shalt  }
0x46: {  	_ =	shalt  }
0x47: {  	_ =	shalt  }
0x48: {  	_ =	shalt  }
0x49: {  	_ =	shalt  }
0x4a: {  	_ =	shalt  }
0x4b: {  	_ =	shalt  }
0x4c: {  	_ =	shalt  }
0x4d: {  	_ =	shalt  }
0x4e: {  	_ =	shalt  }
0x4f: {  	_ =	shalt  }
0x50: {  	_ =	shalt  }
0x51: {  	_ =	shalt  }
0x52: {  	_ =	shalt  }
0x53: {  	_ =	shalt  }
0x54: {  	_ =	shalt  }
0x55: {  	_ =	shalt  }
0x56: {  	_ =	shalt  }
0x57: {  	_ =	shalt  }
0x58: {  	_ =	shalt  }
0x59: {  	_ =	shalt  }
0x5a: {  	_ =	shalt  }
0x5b: {  	_ =	shalt  }
0x5c: {  	_ =	shalt  }
0x5d: {  	_ =	shalt  }
0x5e: {  	_ =	shalt  }
0x5f: {  	_ =	shalt  }
0x60: {  	_ =	shalt  }
0x61: {  	_ =	shalt  }
0x62: {  	_ =	shalt  }
0x63: {  	_ =	shalt  }
0x64: {  	_ =	shalt  }
0x65: {  	_ =	shalt  }
0x66: {  	_ =	shalt  }
0x67: {  	_ =	shalt  }
0x68: {  	_ =	shalt  }
0x69: {  	_ =	shalt  }
0x6a: {  	_ =	shalt  }
0x6b: {  	_ =	shalt  }
0x6c: {  	_ =	shalt  }
0x6d: {  	_ =	shalt  }
0x6e: {  	_ =	shalt  }
0x6f: {  	_ =	shalt  }
0x70: {  	_ =	shalt  }
0x71: {  	_ =	shalt  }
0x72: {  	_ =	shalt  }
0x73: {  	_ =	shalt  }
0x74: {  	_ =	shalt  }
0x75: {  	_ =	shalt  }
0x76: {  	_ =	shalt  }
0x77: {  	_ =	shalt  }
0x78: {  	_ =	shalt  }
0x79: {  	_ =	shalt  }
0x7a: {  	_ =	shalt  }
0x7b: {  	_ =	shalt  }
0x7c: {  	_ =	shalt  }
0x7d: {  	_ =	shalt  }
0x7e: {  	_ =	shalt  }
0x7f: {  	_ =	shalt  }
0x80: {  	_ =	shalt  }
0x81: {  	_ =	shalt  }
0x82: {  	_ =	shalt  }
0x83: {  	_ =	shalt  }
0x84: {  	_ =	shalt  }
0x85: {  	_ =	shalt  }
0x86: {  	_ =	shalt  }
0x87: {  	_ =	shalt  }
.Lfunc_end0:
.L_simem_size_0:
called_computation.1_lowered:
.L_overlay_start_0:
0x88: {  	s2 =	sld [smem:$0x3FD9]  }
0x89: {  	s3 =	sld [smem:$0x3FFE];
	_ =	sdelay $0x1  }
0x8a: {  	s1 =	srdreg.scid  }
0x8b: {  	s0 =	sand.u32 $0x1, s1  }
0x8c: {  	s16 =	sshll.u32 s0, $0xA;
	s2 =	sadd.s32 s3, s2  }
0x8d: {  	s2 =	sadd.s32 s2, s16  }
0x8e: {  	[smem:$0x3FC6] =	sst s2  }
0x8f: {  	_ = 	snop  }
0x90: {  	(tm) =	ssettm $0x1  }
0x91: {  	s17 =	sld [smem:$0x3FFB];
	_ =	sdelay $0x3  }
0x92: {  	_ =	strace s17  }
0x93: {  	s2 =	sld [smem:$0x3FFC];
	_ =	sdelay $0x3  }
0x94: {  	_ =	strace s2  }
0x95: {  	s2 =	sld [smem:$0x3FFD];
	_ =	sdelay $0x3  }
0x96: {  	_ =	strace s2  }
0x97: {  	_ =	strace $0x8FFFFFFF  }
0x98: {  	s18 =	sld [smem:$0x3FDB];
	_ =	sdelay $0x1  }
0x99: {  	s19 =	simm.s32 $_scs_section_size  }
0x9a: {  	s4 =	simm.s32 $_size__tile_overlayer_lowered;
	s5 =	simm.s32 $_tile_overlayer_lowered  }
0x9b: {  	s22 =	simm.s32 $0x1BFF;
	s21 =	sshll.u32 s5, $0x1;
	s2 =	sadd.s32 s19, s18  }
0x9c: {  	s6 =	simm.s32 $0x0;
	s20 =	sshll.u32 s4, $0x1;
	s4 =	sadd.s32 s21, s2  }
0x9d: {  	[timem:s6], [sflag:s22] =	dma.local [hbm:s4], s20  }
0x9e: {  	_ =	swait.ge [sflag:s22], s20  }
0x9f: {  	s3 =	ssub.s32 $0x0, s20;
	[sflag:s22] =	ssyncset.done $0x0  }
0xa0: {  	[sflag:s22] =	ssyncadd.s32 s3;
	_ =	sdelay $0x1  }
0xa1: {  	s23 =	simm.s32 $0x1B8B  }
0xa2: {  	_ =	swait.ge [sflag:s23], $0x1  }
0xa3: {  	[sflag:s23] =	ssyncset.done $0x0  }
0xa4: {  	s25 =	simm.s32 $0x1B8E;
	s24 =	sld [smem:$0x3FFE];
	[sflag:s23] =	ssyncadd.s32 $0xFFFFFFFF  }
0xa5: {  	s26 =	simm.s32 $execute0_lowered;
	[smem:$0x3FD2] =	sst s25  }
0xa6: {  	s4 =	sshll.u32 s26, $0x1;
	_ =	strace $0x80000046;
	[dreg:$0x1] =	wrdreg $0xFFFFFFFF  }
0xa7: {  	s28 =	simm.s32 $_size_execute0_lowered;
	s2 =	sadd.s32 s2, s4;
	[dreg:$0x0] =	wrdreg $0x0  }
0xa8: {  	s4 =	sshll.u32 s28, $0x1;
	[dreg:$0x2] =	wrdreg s2  }
0xa9: {  	[dreg:$0x3] =	wrdreg s4  }
0xaa: {  	[dreg:$0x4] =	wrdreg $0xC0  }
0xab: {  	_ =	task [dreg:s6], $0x5FFFF  }
0xac: {  	[dreg:$0x1] =	wrdreg $0xFFFFFFFF  }
0xad: {  	[dreg:$0x0] =	wrdreg $0x60  }
0xae: {  	[dreg:$0x2] =	wrdreg s24  }
0xaf: {  	[dreg:$0x3] =	wrdreg $0x9  }
0xb0: {  	_ =	task.clear_ibuf [dreg:s6], $0x4FFFF;
	_ =	strace $0x90000046  }
0xb1: {  	s29 =	simm.s32 $0x9;
	_ =	strace $0x80000048  }
0xb2: {  	_ =	swait.ge [sflag:s29], $0x1  }
0xb3: {  	[sflag:s29] =	ssyncadd.s32 $0xFFFFFFFF  }
0xb4: {  	_ =	strace $0x90000048  }
0xb5: {  	_ =	sfence  }
0xb6: {  	s30 =	sld [smem:$0x0];
	_ =	sdelay $0x2  }
0xb7: {  	s31 =	sshll.u32 s1, $0xD;
	s1 =	sshrl.u32 s1, $0x2  }
0xb8: {  	s3 =	sand.u32 $0x4000, s31;
	s1 =	sadd.s32 s1, s30  }
0xb9: {  	s0 =	sor.u32 s3, s0;
	s1 =	sshll.u32 s1, $0x11  }
0xba: {  	s0 =	sor.u32 s1, s0  }
0xbb: {  	s0 =	sadd.s32 $0x8F2B, s0  }
0xbc: {  	[sflag:s0] =	ssyncadd.remote.s32 $0x1  }
0xbd: {  	_ =	sfence.sel $0xFFFF  }
0xbe: {  	[dreg:$0x0] =	wrdreg $0xFFFFFFFF;
	(pc) =	sbr.abs _section_cstart, $3  }
0xbf: {  	[dreg:$0x1] =	wrdreg $0xFFFFFFFF  }
0xc0: {  	_ =	task.clear_ibuf [dreg:s6], $0x2FFFF;
	_ =	strace $0x9FFFFFFF  }
0xc1: {  	(tm) =	ssettm $0x7FFFFFFF  }
tec
execute0_lowered:
.L_overlay_start_1:
0x0: {  	(tag) =	ssettag $0x1  }
0x1: {  	s0 =	srdreg.scid  }
0x2: {  	s1 =	stileid.u32;
	s6 =	rddreg [dreg:$0x0];
	s2 =	simm.s32 $0x0  }
0x3: {  	s11 =	simm.s32 $0xD380;
	s13 =	simm.s32 $0x10;
	s24 =	simm.s32 $0x11B80  }
0x4: {  	s25 =	simm.s32 $0x12780;
	s0 =	sand.u32 $0x1, s0;
	s1 =	sshll.u32 s1, $0x1  }
0x5: {  	s28 =	simm.s32 $0x4B80;
	s29 =	simm.s32 $0x13380;
	s1 =	sor.u32 s0, s1  }
0x6: {  	s30 =	simm.s32 $0x13F80;
	s31 =	simm.s32 $0xB40;
	s3 =	smul.u32 $0xA00, s1  }
0x7: {  	s10 =	simm.s32 $0x0;
	[smem:$0x7FF] =	sst s2;
	s0 =	ssub.s32 $0x2, s0  }
0x8: {  	s4 =	sadd.s32 $0x3000, s6;
	s8 =	sshrl.u32 s0, $0x1;
	s1 =	sshrl.u32 s3, $0x3  }
0x9: {  	s5 =	sadd.s32 $0x496E00, s6;
	s0 =	ssub.s32 s0, s8;
	s7 =	smul.u32 $0x180, s1  }
.Ltmp0:
0xa: {  	_ =	strace $0x80000047;
	s0 =	smax.u32 s0, $0x1;
	(pc) =	sbr.rel .LBB2_1-.Ltmp0, $4  }
0xb: {  	s1 =	sadd.s32 s1, s6;
	s6 =	sadd.s32 $0x61D800, s6;
	[dreg:$0x4] =	wrdreg s0  }
0xc: {  	v2 =	vlaneseq.u32;
	s0 =	simm.s32 $0x5B80;
	s1 =	sadd.s32 $0x800, s1;
	s26 =	sadd.s32 s6, s7  }
0xd: {  	vm0 =	vmmov $0xffff;
	v1 =	vshrl.u32 v2, $0x3;
	[dreg:$0x2] =	wrdreg s1;
	s7 =	simm.s32 $0x1;
	s1 =	sadd.s32 $0x1D100, s26  }
0xe: {  	v0 =	vand.u32 $0x7, v2;
	v2 =	vor.u32 $0x8, v2;
	v1 =	vmul.u32 $0x8, v1;
	s26 =	simm.s32 $0xB30;
	[dreg:$0x3] =	wrdreg s1;
	s1 =	simm.s32 $0x5380  }
.LBB2_29:
0xf: {  	s8 =	rddreg [dreg:$0x3];
	s22 =	simm.s32 $0x2  }
0x10: {  	[hbm4b:s8+s2] =	stream.linear.scatter [tilespmem:s11], [sflag:$0x3], $0x7800, $0x38;
	[tilespmem:$0x14B80] =	vst v63  }
0x11: {  	_ =	swait.ge [sflag:s22], $0x7800  }
0x12: {  	[sflag:s22] =	ssyncset.done $0x0  }
0x13: {  	s9 =	simm.s32 $0x3;
	[sflag:s22] =	ssyncadd.s32 $0xFFFF8800  }
0x14: {  	_ =	swait.ge [sflag:s9], $0x7800  }
0x15: {  	s10 =	rddreg [dreg:$0x5]  }
0x16: {  	s23 =	rddreg [dreg:$0x4];
	s10 =	sadd.s32 $0x1, s10  }
0x17: {  	p0 =	sne.s32 s10, s23  }
.Ltmp1:
0x18: {  	_ = 	snop;
	(pc) =	sbr.rel @!p0 .LBB2_30-.Ltmp1, $3  }
0x19: {  	_ =	sdelay $0x1  }
0x1a: {  	[sflag:s9] =	ssyncset.done $0x0  }
0x1b: {  	[sflag:s9] =	ssyncadd.s32 $0xFFFF8800  }
.LBB2_1:
0x1c: {  	[dreg:$0x5] =	wrdreg s10  }
.Ltmp2:
0x1d: {  	s8 =	rddreg [dreg:$0x2];
	s23 =	simm.s32 $0x4;
	(pc) =	sbr.rel .LBB2_2-.Ltmp2, $4  }
0x1e: {  	[tilespmem:s2], [sflag:$0x4] =	stream.linear.gather [hbm4b:s8+s2], $0xA00, $0x38;
	[tilespmem:$0x14B80] =	vst v63  }
0x1f: {  	_ =	swait.ge [sflag:s23], $0xA00  }
0x20: {  	[sflag:s23] =	ssyncset.done $0x0  }
0x21: {  	s17 =	simm.s32 $0xFFFFFFB0;
	s9 =	simm.s32 $0x0;
	[sflag:s23] =	ssyncadd.s32 $0xFFFFF600  }
.LBB2_20:
0x22: {  	s8 =	sadd.s32 s3, s10  }
0x23: {  	s8 =	sshrl.u32 s8, $0x3  }
0x24: {  	s8 =	smul.u32 $0x180, s8;
	_ =	sdelay $0x1  }
0x25: {  	s8 =	sadd.s32 s6, s8  }
0x26: {  	[hbm4b:s8+s2] =	stream.linear.scatter [tilespmem:s0], [sflag:$0x2], $0x7800, $0x38;
	[tilespmem:$0x14B80] =	vst v63  }
0x27: {  	_ =	swait.ge [sflag:s7], $0x1000  }
0x28: {  	[sflag:s7] =	ssyncset.done $0x0  }
0x29: {  	[sflag:s7] =	ssyncadd.s32 $0xFFFFF000  }
0x2a: {  	_ =	swait.ge [sflag:s7], $0x800  }
0x2b: {  	[sflag:s7] =	ssyncset.done $0x0  }
0x2c: {  	[sflag:s7] =	ssyncadd.s32 $0xFFFFF800  }
0x2d: {  	_ =	swait.ge [sflag:s7], $0x1000  }
0x2e: {  	[sflag:s7] =	ssyncset.done $0x0  }
0x2f: {  	[sflag:s7] =	ssyncadd.s32 $0xFFFFF000  }
0x30: {  	_ =	swait.ge [sflag:s7], $0x800  }
0x31: {  	[sflag:s7] =	ssyncset.done $0x0  }
0x32: {  	[sflag:s7] =	ssyncadd.s32 $0xFFFFF800  }
0x33: {  	_ =	swait.ge [sflag:s7], $0x1000  }
0x34: {  	[sflag:s7] =	ssyncset.done $0x0  }
0x35: {  	[sflag:s7] =	ssyncadd.s32 $0xFFFFF000  }
0x36: {  	_ =	swait.ge [sflag:s7], $0x800  }
0x37: {  	[sflag:s7] =	ssyncset.done $0x0  }
0x38: {  	[sflag:s7] =	ssyncadd.s32 $0xFFFFF800  }
0x39: {  	_ =	swait.ge [sflag:s7], $0x1000  }
0x3a: {  	[sflag:s7] =	ssyncset.done $0x0  }
0x3b: {  	[sflag:s7] =	ssyncadd.s32 $0xFFFFF000  }
0x3c: {  	_ =	swait.ge [sflag:s7], $0x800  }
0x3d: {  	[sflag:s7] =	ssyncset.done $0x0  }
0x3e: {  	[sflag:s7] =	ssyncadd.s32 $0xFFFFF800  }
0x3f: {  	_ =	swait.ge [sflag:s7], $0x1000  }
0x40: {  	[sflag:s7] =	ssyncset.done $0x0  }
0x41: {  	[sflag:s7] =	ssyncadd.s32 $0xFFFFF000  }
0x42: {  	_ =	swait.ge [sflag:s7], $0x800  }
0x43: {  	[sflag:s7] =	ssyncset.done $0x0  }
0x44: {  	[sflag:s7] =	ssyncadd.s32 $0xFFFFF800  }
.LBB2_21:
0x45: {  	s9 =	sadd.s32 $0x1, s9  }
0x46: {  	p0 =	sne.s32 s9, $0x20  }
.Ltmp3:
0x47: {  	_ = 	snop;
	(pc) =	sbr.rel @!p0 .LBB2_22-.Ltmp3, $2  }
0x48: {  	_ =	sdelay $0x2  }
0x49: {  	s17 =	sadd.s32 $0x50, s17  }
.LBB2_2:
0x4a: {  	s12 =	sand.u32 $0x1, s9  }
0x4b: {  	p0 =	seq.s32 s12, $0x1  }
.Ltmp4:
0x4c: {  	_ = 	snop;
	(pc) =	sbr.rel @p0 .LBB2_13-.Ltmp4, $2  }
0x4d: {  	_ =	sdelay $0x2  }
0x4e: {  	s10 =	smul.u32 $0x50, s9  }
0x4f: {  	_ = 	snop  }
0x50: {  	v3 =	vld [tilespmem:s10+$0x0];
	_ =	sdelay $0x4  }
0x51: {  	vm1 =	vlt.s32 v3, $0x1869F  }
0x52: {  	v3 =	vnsel vm1, $0x1869F, v3  }
0x53: {  	[tilespmem:$0xA80] =	vst v3  }
0x54: {  	v4 =	vld [tilespmem:s10+$0x10];
	_ =	sdelay $0x4  }
0x55: {  	vm1 =	vlt.s32 v4, $0x1869F  }
0x56: {  	v4 =	vnsel vm1, $0x1869F, v4  }
0x57: {  	[tilespmem:$0xA90] =	vst v4  }
0x58: {  	v4 =	vld [tilespmem:s10+$0x20];
	_ =	sdelay $0x4  }
0x59: {  	vm1 =	vlt.s32 v4, $0x1869F  }
0x5a: {  	v4 =	vnsel vm1, $0x1869F, v4  }
0x5b: {  	[tilespmem:$0xAA0] =	vst v4  }
0x5c: {  	v4 =	vld [tilespmem:s10+$0x30];
	_ =	sdelay $0x4  }
0x5d: {  	vm1 =	vlt.s32 v4, $0x1869F  }
0x5e: {  	v4 =	vnsel vm1, $0x1869F, v4  }
0x5f: {  	[tilespmem:$0xAB0] =	vst v4  }
0x60: {  	v5 =	vshrl.u32 v3, $0x3;
	v4 =	vld [tilespmem:s10+$0x40]  }
0x61: {  	v5 =	vmul.u32 $0x18, v5  }
0x62: {  	v3 =	vand.u32 $0x7, v3  }
0x63: {  	v3 =	vor.u32 v3, v5  }
0x64: {  	v5 =	vperm.xlane v3, v0  }
0x65: {  	vm1 =	vlt.s32 v4, $0x1869F  }
0x66: {  	p0 =	slt.u32 s9, $0x2;
	v3 =	vperm.xlane v3, v2;
	v5 =	vadd.s32 v1, v5;
	v4 =	vnsel vm1, $0x1869F, v4  }
0x67: {  	s8 =	simm.s32 @!p0 $0x2;
	[tilespmem:$0xAC0] =	vst v4  }
0x68: {  	v3 =	vadd.s32 v1, v3;
	_ =	swait.ge @!p0 [sflag:s8], $0x7800  }
0x69: {  	[sflag:s8] =	ssyncset.done @!p0 $0x0  }
0x6a: {  	[sflag:s8] =	ssyncadd.s32 @!p0 $0xFFFF8800;
	s8 =	simm.s32 $0x0  }
0x6b: {  	[tilespmem:s0], [sflag:$0x1] =	stream.indirect_vreg.gather [hbm4b:s4+s8], $0x80, v5, vm0, $0xb8;
	[tilespmem:$0x14B80] =	vst v63  }
0x6c: {  	s14 =	simm.s32 $0x6780  }
0x6d: {  	[tilespmem:s14], [sflag:$0x1] =	stream.indirect_vreg.gather [hbm4b:s4+s8], $0x80, v3, vm0, $0xb8;
	[tilespmem:$0x14B80] =	vst v63  }
0x6e: {  	s23 =	simm.s32 $0xA80;
	s15 =	simm.s32 $0xB80  }
0x6f: {  	[tilespmem:s15], [sflag:$0x1] =	stream.indirect.gather [hbm4b:s5+s13], $0x80, s23, s13, $0xb8;
	[tilespmem:$0x14B80] =	vst v63  }
0x70: {  	v3 =	vld [tilespmem:$0xA90];
	_ =	sdelay $0x4  }
0x71: {  	v60 =	vshrl.u32 v3, $0x3  }
0x72: {  	v4 =	vmul.u32 $0x18, v60  }
0x73: {  	v3 =	vand.u32 $0x7, v3  }
0x74: {  	v3 =	vor.u32 v3, v4  }
0x75: {  	v4 =	vperm.xlane v3, v0;
	_ =	sdelay $0x1  }
0x76: {  	v3 =	vperm.xlane v3, v2;
	v4 =	vadd.s32 v1, v4;
	_ =	sdelay $0x1  }
0x77: {  	v3 =	vadd.s32 v1, v3;
	_ =	sdelay $0x1  }
0x78: {  	s15 =	simm.s32 $0x7380  }
0x79: {  	[tilespmem:s15], [sflag:$0x1] =	stream.indirect_vreg.gather [hbm4b:s4+s8], $0x80, v4, vm0, $0xb8;
	[tilespmem:$0x14B80] =	vst v63  }
0x7a: {  	s16 =	simm.s32 $0x7F80  }
0x7b: {  	[tilespmem:s16], [sflag:$0x1] =	stream.indirect_vreg.gather [hbm4b:s4+s8], $0x80, v3, vm0, $0xb8;
	[tilespmem:$0x14B80] =	vst v63  }
0x7c: {  	s18 =	simm.s32 $0xA90;
	s19 =	simm.s32 $0x1380  }
0x7d: {  	[tilespmem:s19], [sflag:$0x1] =	stream.indirect.gather [hbm4b:s5+s13], $0x80, s18, s13, $0xb8;
	[tilespmem:$0x14B80] =	vst v63  }
0x7e: {  	v3 =	vld [tilespmem:$0xAA0];
	_ =	sdelay $0x4  }
0x7f: {  	v61 =	vshrl.u32 v3, $0x3  }
0x80: {  	v4 =	vmul.u32 $0x18, v61  }
0x81: {  	v3 =	vand.u32 $0x7, v3  }
0x82: {  	v3 =	vor.u32 v3, v4  }
0x83: {  	v4 =	vperm.xlane v3, v0;
	_ =	sdelay $0x1  }
0x84: {  	v3 =	vperm.xlane v3, v2;
	v4 =	vadd.s32 v1, v4;
	_ =	sdelay $0x1  }
0x85: {  	v3 =	vadd.s32 v1, v3;
	_ =	sdelay $0x1  }
0x86: {  	s20 =	simm.s32 $0x8B80  }
0x87: {  	[tilespmem:s20], [sflag:$0x1] =	stream.indirect_vreg.gather [hbm4b:s4+s8], $0x80, v4, vm0, $0xb8;
	[tilespmem:$0x14B80] =	vst v63  }
0x88: {  	s21 =	simm.s32 $0x9780  }
0x89: {  	[tilespmem:s21], [sflag:$0x1] =	stream.indirect_vreg.gather [hbm4b:s4+s8], $0x80, v3, vm0, $0xb8;
	[tilespmem:$0x14B80] =	vst v63  }
0x8a: {  	s22 =	simm.s32 $0xAA0;
	s23 =	simm.s32 $0x1B80  }
0x8b: {  	[tilespmem:s23], [sflag:$0x1] =	stream.indirect.gather [hbm4b:s5+s13], $0x80, s22, s13, $0xb8;
	[tilespmem:$0x14B80] =	vst v63  }
0x8c: {  	v3 =	vld [tilespmem:$0xAB0];
	_ =	sdelay $0x4  }
0x8d: {  	v62 =	vshrl.u32 v3, $0x3  }
0x8e: {  	v4 =	vmul.u32 $0x18, v62  }
0x8f: {  	v3 =	vand.u32 $0x7, v3  }
0x90: {  	v3 =	vor.u32 v3, v4  }
0x91: {  	v4 =	vperm.xlane v3, v0;
	_ =	sdelay $0x1  }
0x92: {  	v3 =	vperm.xlane v3, v2;
	v4 =	vadd.s32 v1, v4;
	_ =	sdelay $0x1  }
0x93: {  	v3 =	vadd.s32 v1, v3;
	_ =	sdelay $0x1  }
0x94: {  	s15 =	simm.s32 $0xA380  }
0x95: {  	[tilespmem:s15], [sflag:$0x1] =	stream.indirect_vreg.gather [hbm4b:s4+s8], $0x80, v4, vm0, $0xb8;
	[tilespmem:$0x14B80] =	vst v63  }
0x96: {  	s16 =	simm.s32 $0xAF80  }
0x97: {  	[tilespmem:s16], [sflag:$0x1] =	stream.indirect_vreg.gather [hbm4b:s4+s8], $0x80, v3, vm0, $0xb8;
	[tilespmem:$0x14B80] =	vst v63  }
0x98: {  	s18 =	simm.s32 $0xAB0;
	s19 =	simm.s32 $0x2380  }
0x99: {  	[tilespmem:s19], [sflag:$0x1] =	stream.indirect.gather [hbm4b:s5+s13], $0x80, s18, s13, $0xb8;
	[tilespmem:$0x14B80] =	vst v63  }
0x9a: {  	v3 =	vld [tilespmem:$0xAC0];
	_ =	sdelay $0x4  }
0x9b: {  	v63 =	vshrl.u32 v3, $0x3  }
0x9c: {  	v4 =	vmul.u32 $0x18, v63  }
0x9d: {  	v3 =	vand.u32 $0x7, v3  }
0x9e: {  	v3 =	vor.u32 v3, v4  }
0x9f: {  	v4 =	vperm.xlane v3, v0;
	_ =	sdelay $0x1  }
0xa0: {  	v4 =	vadd.s32 v1, v4  }
0xa1: {  	v3 =	vperm.xlane v3, v2;
	_ =	sdelay $0x1  }
0xa2: {  	v3 =	vadd.s32 v1, v3  }
0xa3: {  	p0 =	seq.s32 s9, $0x0;
	s20 =	simm.s32 $0xBB80  }
0xa4: {  	[tilespmem:s20], [sflag:$0x1] =	stream.indirect_vreg.gather [hbm4b:s4+s8], $0x80, v4, vm0, $0xb8;
	[tilespmem:$0x14B80] =	vst v63  }
.Ltmp5:
0xa5: {  	_ = 	snop;
	(pc) =	sbr.rel @p0 .LBB2_12-.Ltmp5, $4  }
0xa6: {  	s21 =	simm.s32 $0xC780  }
0xa7: {  	[tilespmem:s21], [sflag:$0x1] =	stream.indirect_vreg.gather [hbm4b:s4+s8], $0x80, v3, vm0, $0xb8;
	[tilespmem:$0x14B80] =	vst v63  }
0xa8: {  	s14 =	simm.s32 $0x33A0;
	s22 =	simm.s32 $0xAC0;
	s23 =	simm.s32 $0x2B80  }
0xa9: {  	[tilespmem:s23], [sflag:$0x1] =	stream.indirect.gather [hbm4b:s5+s13], $0x80, s22, s13, $0xb8;
	[tilespmem:$0x14B80] =	vst v63  }
0xaa: {  	v3 =	vld [tilespmem:s14+$0xFFFFFFE0];
	s15 =	sshrl.u32 s8, $0x3  }
0xab: {  	s15 =	smul.u32 $0x3000, s15;
	_ =	sdelay $0x1  }
0xac: {  	s16 =	sand.u32 $0x380, s8;
	s15 =	sshra.s32 s15, $0x2  }
0xad: {  	s15 =	sor.u32 s16, s15  }
0xae: {  	[tilespmem:s15+$0xDB80] =	vst v3  }
0xaf: {  	v3 =	vld [tilespmem:s14+$0xFFFFFFF0];
	_ =	sdelay $0x4  }
0xb0: {  	[tilespmem:s15+$0xDB90] =	vst v3  }
0xb1: {  	v3 =	vld [tilespmem:s14+$0x0];
	_ =	sdelay $0x4  }
0xb2: {  	s18 =	sadd.s32 $0x1, s8;
	s14 =	sadd.s32 $0x80, s14;
	[tilespmem:s15+$0xDBA0] =	vst v3  }
0xb3: {  	s16 =	sshrl.u32 s18, $0x3;
	s15 =	sadd.s32 $0x1, s18;
	v3 =	vld [tilespmem:s14+$0xFFFFFFE0]  }
.LBB2_5:
0xb4: {  	p0 =	seq.s32 s15, $0x4F;
	s16 =	smul.u32 $0x3000, s16  }
0xb5: {  	s8 =	sadd.s32 $0x80, s8  }
0xb6: {  	s18 =	sand.u32 $0x380, s8;
	s16 =	sshra.s32 s16, $0x2  }
0xb7: {  	s16 =	sor.u32 s18, s16  }
0xb8: {  	[tilespmem:s16+$0xDB80] =	vst v3  }
0xb9: {  	v3 =	vld [tilespmem:s14+$0xFFFFFFF0];
	_ =	sdelay $0x4  }
0xba: {  	[tilespmem:s16+$0xDB90] =	vst v3  }
0xbb: {  	v3 =	vld [tilespmem:s14+$0x0];
	_ =	sdelay $0x1  }
.Ltmp6:
0xbc: {  	(pc) =	sbr.rel @!p0 .LBB2_5-.Ltmp6, $3  }
0xbd: {  	_ =	sdelay $0x1  }
0xbe: {  	s14 =	sadd.s32 $0x80, s14;
	[tilespmem:s16+$0xDBA0] =	vst v3  }
0xbf: {  	s16 =	sshrl.u32 s15, $0x3;
	s15 =	sadd.s32 $0x1, s15;
	v3 =	vld [tilespmem:s14+$0xFFFFFFE0]  }
0xc0: {  	s15 =	smul.u32 $0x3000, s16  }
0xc1: {  	s8 =	sadd.s32 $0x80, s8  }
0xc2: {  	s8 =	sand.u32 $0x380, s8;
	s15 =	sshra.s32 s15, $0x2  }
0xc3: {  	s8 =	sor.u32 s8, s15  }
0xc4: {  	[tilespmem:s8+$0xDB80] =	vst v3  }
0xc5: {  	v3 =	vld [tilespmem:s14+$0xFFFFFFF0];
	_ =	sdelay $0x4  }
0xc6: {  	[tilespmem:s8+$0xDB90] =	vst v3  }
0xc7: {  	v3 =	vld [tilespmem:s14+$0x0]  }
.Ltmp7:
0xc8: {  	_ = 	snop;
	(pc) =	sbr.rel .LBB2_7-.Ltmp7, $3  }
0xc9: {  	_ =	sdelay $0x1  }
0xca: {  	s21 =	simm.s32 $0x0;
	s14 =	sadd.s32 $0xFFFFFFB0, s10  }
0xcb: {  	s18 =	simm.s32 $0x0;
	s15 =	simm.s32 $0x0;
	[tilespmem:s8+$0xDBA0] =	vst v3;
	v3 =	vmov s14;
	s8 =	smov.u32 s17  }
.LBB2_10:
0xcc: {  	s18 =	sadd.s32 $0x1, s18  }
0xcd: {  	p0 =	sne.s32 s18, $0x5  }
.Ltmp8:
0xce: {  	_ = 	snop;
	(pc) =	sbr.rel @!p0 .LBB2_11-.Ltmp8, $2  }
0xcf: {  	_ =	sdelay $0x2  }
0xd0: {  	s8 =	sadd.s32 $0x10, s8;
	s21 =	sadd.s32 $0x10, s21  }
.LBB2_7:
0xd1: {  	_ =	sdelay $0x2  }
0xd2: {  	s16 =	sshll.u32 s18, $0x4  }
0xd3: {  	v4 =	vld.idx.msk [tilespmem:v3+s16+$0x0 ss:$0x1], $0xffff;
	_ =	sdelay $0x4  }
0xd4: {  	vm1 =	vgt.s32 v4, $0x1869F  }
0xd5: {  	v4 =	vmpcnt.ones.xlane vm1;
	_ =	sdelay $0x1  }
0xd6: {  	(v2sf) =	vpush v4, $0x0;
	_ =	sdelay $0xe  }
0xd7: {  	s23 =	spop (v2sf)  }
0xd8: {  	p0 =	slt.s32 s23, $0x1  }
.Ltmp9:
0xd9: {  	_ = 	snop;
	(pc) =	sbr.rel @p0 .LBB2_10-.Ltmp9, $1  }
0xda: {  	_ =	sdelay $0x3  }
0xdb: {  	v4 =	vld [tilespmem:s8+$0x0];
	_ =	sdelay $0x4  }
0xdc: {  	(v2sf) =	vpush v4, $0x0;
	_ =	sdelay $0xe  }
0xdd: {  	s16 =	spop (v2sf)  }
0xde: {  	p0 =	slt.s32 s16, $0x186A0  }
0xdf: {  	s16 =	sshrl.u32 @!p0 s21, $0x3  }
0xe0: {  	s16 =	smul.u32 @!p0 $0x3000, s16;
	_ =	sdelay $0x1  }
0xe1: {  	s19 =	sand.u32 @!p0 $0x380, s15;
	s16 =	sshra.s32 @!p0 s16, $0x2  }
0xe2: {  	v4 =	vimm.f32 @!p0 $0.0e+00;
	s16 =	sor.u32 @!p0 s19, s16  }
0xe3: {  	[tilespmem:s16+$0xD380] =	vst @!p0 v4  }
0xe4: {  	[tilespmem:s16+$0xD390] =	vst @!p0 v4  }
0xe5: {  	[tilespmem:s16+$0xD3A0] =	vst @!p0 v4  }
0xe6: {  	[tilespmem:s16+$0xD3B0] =	vst @!p0 v4  }
0xe7: {  	[tilespmem:s16+$0xD3C0] =	vst @!p0 v4  }
0xe8: {  	[tilespmem:s16+$0xD3D0] =	vst @!p0 v4  }
0xe9: {  	[tilespmem:s16+$0xD3E0] =	vst @!p0 v4  }
0xea: {  	[tilespmem:s16+$0xD3F0] =	vst @!p0 v4  }
0xeb: {  	[tilespmem:s16+$0xD780] =	vst @!p0 v4  }
0xec: {  	[tilespmem:s16+$0xD790] =	vst @!p0 v4  }
0xed: {  	[tilespmem:s16+$0xD7A0] =	vst @!p0 v4  }
0xee: {  	[tilespmem:s16+$0xD7B0] =	vst @!p0 v4  }
0xef: {  	[tilespmem:s16+$0xD7C0] =	vst @!p0 v4  }
0xf0: {  	[tilespmem:s16+$0xD7D0] =	vst @!p0 v4  }
0xf1: {  	[tilespmem:s16+$0xD7E0] =	vst @!p0 v4  }
0xf2: {  	[tilespmem:s16+$0xD7F0] =	vst @!p0 v4  }
0xf3: {  	[tilespmem:s16+$0xDB80] =	vst @!p0 v4  }
0xf4: {  	[tilespmem:s16+$0xDB90] =	vst @!p0 v4  }
0xf5: {  	s20 =	sadd.s32 $0x1, s8;
	s19 =	simm.s32 $0x80;
	[tilespmem:s16+$0xDBA0] =	vst @!p0 v4;
	s16 =	smov.u32 s21  }
.LBB2_9:
0xf6: {  	v4 =	vld [tilespmem:s20+$0x0];
	s22 =	smov.u32 s19;
	s19 =	sadd.s32 $0x80, s19  }
0xf7: {  	p0 =	sne.s32 s19, $0x800;
	_ =	sdelay $0x3  }
0xf8: {  	(v2sf) =	vpush v4, $0x0;
	_ =	sdelay $0xe  }
0xf9: {  	s23 =	spop (v2sf)  }
0xfa: {  	s16 =	sadd.s32 $0x1, s16;
	p1 =	slt.s32 s23, $0x186A0  }
0xfb: {  	s23 =	sshrl.u32 @!p1 s16, $0x3  }
0xfc: {  	s23 =	smul.u32 @!p1 $0x3000, s23;
	_ =	sdelay $0x1  }
0xfd: {  	s22 =	sand.u32 @!p1 $0x380, s22;
	s23 =	sshra.s32 @!p1 s23, $0x2  }
0xfe: {  	v4 =	vimm.f32 @!p1 $0.0e+00;
	s22 =	sor.u32 @!p1 s22, s23  }
0xff: {  	[tilespmem:s22+$0xD380] =	vst @!p1 v4  }
0x100: {  	[tilespmem:s22+$0xD390] =	vst @!p1 v4  }
0x101: {  	[tilespmem:s22+$0xD3A0] =	vst @!p1 v4  }
0x102: {  	[tilespmem:s22+$0xD3B0] =	vst @!p1 v4  }
0x103: {  	[tilespmem:s22+$0xD3C0] =	vst @!p1 v4  }
0x104: {  	[tilespmem:s22+$0xD3D0] =	vst @!p1 v4  }
0x105: {  	[tilespmem:s22+$0xD3E0] =	vst @!p1 v4  }
0x106: {  	[tilespmem:s22+$0xD3F0] =	vst @!p1 v4  }
0x107: {  	[tilespmem:s22+$0xD780] =	vst @!p1 v4  }
0x108: {  	[tilespmem:s22+$0xD790] =	vst @!p1 v4  }
0x109: {  	[tilespmem:s22+$0xD7A0] =	vst @!p1 v4  }
0x10a: {  	[tilespmem:s22+$0xD7B0] =	vst @!p1 v4  }
0x10b: {  	[tilespmem:s22+$0xD7C0] =	vst @!p1 v4  }
0x10c: {  	[tilespmem:s22+$0xD7D0] =	vst @!p1 v4  }
.Ltmp10:
0x10d: {  	[tilespmem:s22+$0xD7E0] =	vst @!p1 v4;
	(pc) =	sbr.rel @p0 .LBB2_9-.Ltmp10, $4  }
0x10e: {  	[tilespmem:s22+$0xD7F0] =	vst @!p1 v4  }
0x10f: {  	[tilespmem:s22+$0xDB80] =	vst @!p1 v4  }
0x110: {  	[tilespmem:s22+$0xDB90] =	vst @!p1 v4  }
0x111: {  	s20 =	sadd.s32 $0x1, s20;
	[tilespmem:s22+$0xDBA0] =	vst @!p1 v4  }
.Ltmp11:
0x112: {  	_ = 	snop;
	(pc) =	sbr.rel .LBB2_10-.Ltmp11, $1  }
0x113: {  	_ =	sdelay $0x3  }
.LBB2_11:
0x114: {  	s8 =	sadd.s32 s3, s14  }
0x115: {  	s8 =	sshrl.u32 s8, $0x3  }
0x116: {  	s8 =	smul.u32 $0x180, s8;
	_ =	sdelay $0x1  }
0x117: {  	s8 =	sadd.s32 s6, s8  }
0x118: {  	[hbm4b:s8+s2] =	stream.linear.scatter [tilespmem:s11], [sflag:$0x3], $0x7800, $0x38;
	[tilespmem:$0x14B80] =	vst v63  }
.LBB2_12:
0x119: {  	_ =	swait.ge [sflag:s7], $0x1000  }
0x11a: {  	[sflag:s7] =	ssyncset.done $0x0  }
0x11b: {  	[sflag:s7] =	ssyncadd.s32 $0xFFFFF000  }
0x11c: {  	_ =	swait.ge [sflag:s7], $0x800  }
0x11d: {  	[sflag:s7] =	ssyncset.done $0x0  }
0x11e: {  	[sflag:s7] =	ssyncadd.s32 $0xFFFFF800  }
0x11f: {  	_ =	swait.ge [sflag:s7], $0x1000  }
0x120: {  	[sflag:s7] =	ssyncset.done $0x0  }
0x121: {  	[sflag:s7] =	ssyncadd.s32 $0xFFFFF000  }
0x122: {  	_ =	swait.ge [sflag:s7], $0x800  }
0x123: {  	[sflag:s7] =	ssyncset.done $0x0  }
0x124: {  	[sflag:s7] =	ssyncadd.s32 $0xFFFFF800  }
0x125: {  	_ =	swait.ge [sflag:s7], $0x1000  }
0x126: {  	[sflag:s7] =	ssyncset.done $0x0  }
0x127: {  	[sflag:s7] =	ssyncadd.s32 $0xFFFFF000  }
0x128: {  	_ =	swait.ge [sflag:s7], $0x800  }
0x129: {  	[sflag:s7] =	ssyncset.done $0x0  }
0x12a: {  	[sflag:s7] =	ssyncadd.s32 $0xFFFFF800  }
0x12b: {  	_ =	swait.ge [sflag:s7], $0x1000  }
0x12c: {  	[sflag:s7] =	ssyncset.done $0x0  }
0x12d: {  	[sflag:s7] =	ssyncadd.s32 $0xFFFFF000  }
0x12e: {  	_ =	swait.ge [sflag:s7], $0x800  }
0x12f: {  	[sflag:s7] =	ssyncset.done $0x0  }
0x130: {  	[sflag:s7] =	ssyncadd.s32 $0xFFFFF800  }
0x131: {  	p0 =	seq.s32 s12, $0x0;
	_ =	swait.ge [sflag:s7], $0x1000  }
.Ltmp12:
0x132: {  	[sflag:s7] =	ssyncset.done $0x0;
	(pc) =	sbr.rel @p0 .LBB2_21-.Ltmp12, $4  }
0x133: {  	[sflag:s7] =	ssyncadd.s32 $0xFFFFF000  }
0x134: {  	_ =	swait.ge [sflag:s7], $0x800  }
0x135: {  	[sflag:s7] =	ssyncset.done $0x0  }
0x136: {  	[sflag:s7] =	ssyncadd.s32 $0xFFFFF800  }
.LBB2_13:
0x137: {  	_ = 	snop  }
0x138: {  	v3 =	vld [tilespmem:s10+$0x0];
	_ =	sdelay $0x4  }
0x139: {  	vm1 =	vlt.s32 v3, $0x1869F  }
0x13a: {  	v3 =	vnsel vm1, $0x1869F, v3  }
0x13b: {  	[tilespmem:$0xB00] =	vst v3  }
0x13c: {  	v4 =	vld [tilespmem:s10+$0x10];
	_ =	sdelay $0x4  }
0x13d: {  	vm1 =	vlt.s32 v4, $0x1869F  }
0x13e: {  	v4 =	vnsel vm1, $0x1869F, v4  }
0x13f: {  	[tilespmem:$0xB10] =	vst v4  }
0x140: {  	v4 =	vld [tilespmem:s10+$0x20];
	_ =	sdelay $0x4  }
0x141: {  	vm1 =	vlt.s32 v4, $0x1869F  }
0x142: {  	v4 =	vnsel vm1, $0x1869F, v4  }
0x143: {  	[tilespmem:$0xB20] =	vst v4  }
0x144: {  	v4 =	vld [tilespmem:s10+$0x30];
	_ =	sdelay $0x4  }
0x145: {  	vm1 =	vlt.s32 v4, $0x1869F  }
0x146: {  	v4 =	vnsel vm1, $0x1869F, v4  }
0x147: {  	[tilespmem:$0xB30] =	vst v4  }
0x148: {  	v5 =	vshrl.u32 v3, $0x3;
	v4 =	vld [tilespmem:s10+$0x40]  }
0x149: {  	v5 =	vmul.u32 $0x18, v5  }
0x14a: {  	v3 =	vand.u32 $0x7, v3  }
0x14b: {  	v3 =	vor.u32 v3, v5  }
0x14c: {  	v5 =	vperm.xlane v3, v0  }
0x14d: {  	vm1 =	vlt.s32 v4, $0x1869F  }
0x14e: {  	p0 =	slt.u32 s9, $0x2;
	v3 =	vperm.xlane v3, v2;
	v5 =	vadd.s32 v1, v5;
	v4 =	vnsel vm1, $0x1869F, v4  }
0x14f: {  	s8 =	simm.s32 @!p0 $0x3;
	[tilespmem:$0xB40] =	vst v4  }
0x150: {  	v3 =	vadd.s32 v1, v3;
	_ =	swait.ge @!p0 [sflag:s8], $0x7800  }
0x151: {  	[sflag:s8] =	ssyncset.done @!p0 $0x0  }
0x152: {  	[sflag:s8] =	ssyncadd.s32 @!p0 $0xFFFF8800;
	s8 =	simm.s32 $0x0  }
0x153: {  	[tilespmem:s11], [sflag:$0x1] =	stream.indirect_vreg.gather [hbm4b:s4+s8], $0x80, v5, vm0, $0xb8;
	[tilespmem:$0x14B80] =	vst v63  }
0x154: {  	s12 =	simm.s32 $0xDF80  }
0x155: {  	[tilespmem:s12], [sflag:$0x1] =	stream.indirect_vreg.gather [hbm4b:s4+s8], $0x80, v3, vm0, $0xb8;
	[tilespmem:$0x14B80] =	vst v63  }
0x156: {  	s22 =	simm.s32 $0xB00;
	s14 =	simm.s32 $0x3380  }
0x157: {  	[tilespmem:s14], [sflag:$0x1] =	stream.indirect.gather [hbm4b:s5+s13], $0x80, s22, s13, $0xb8;
	[tilespmem:$0x14B80] =	vst v63  }
0x158: {  	v3 =	vld [tilespmem:$0xB10];
	_ =	sdelay $0x4  }
0x159: {  	v4 =	vshrl.u32 v3, $0x3  }
0x15a: {  	v4 =	vmul.u32 $0x18, v4  }
0x15b: {  	v3 =	vand.u32 $0x7, v3  }
0x15c: {  	v3 =	vor.u32 v3, v4  }
0x15d: {  	v4 =	vperm.xlane v3, v0;
	_ =	sdelay $0x1  }
0x15e: {  	v3 =	vperm.xlane v3, v2;
	v4 =	vadd.s32 v1, v4;
	_ =	sdelay $0x1  }
0x15f: {  	v3 =	vadd.s32 v1, v3;
	_ =	sdelay $0x1  }
0x160: {  	s23 =	simm.s32 $0xEB80  }
0x161: {  	[tilespmem:s23], [sflag:$0x1] =	stream.indirect_vreg.gather [hbm4b:s4+s8], $0x80, v4, vm0, $0xb8;
	[tilespmem:$0x14B80] =	vst v63  }
0x162: {  	s14 =	simm.s32 $0xF780  }
0x163: {  	[tilespmem:s14], [sflag:$0x1] =	stream.indirect_vreg.gather [hbm4b:s4+s8], $0x80, v3, vm0, $0xb8;
	[tilespmem:$0x14B80] =	vst v63  }
0x164: {  	s15 =	simm.s32 $0xB10;
	s16 =	simm.s32 $0x3B80  }
0x165: {  	[tilespmem:s16], [sflag:$0x1] =	stream.indirect.gather [hbm4b:s5+s13], $0x80, s15, s13, $0xb8;
	[tilespmem:$0x14B80] =	vst v63  }
0x166: {  	v3 =	vld [tilespmem:$0xB20];
	_ =	sdelay $0x4  }
0x167: {  	v4 =	vshrl.u32 v3, $0x3  }
0x168: {  	v4 =	vmul.u32 $0x18, v4  }
0x169: {  	v3 =	vand.u32 $0x7, v3  }
0x16a: {  	v3 =	vor.u32 v3, v4  }
0x16b: {  	v4 =	vperm.xlane v3, v0;
	_ =	sdelay $0x1  }
0x16c: {  	v3 =	vperm.xlane v3, v2;
	v4 =	vadd.s32 v1, v4;
	_ =	sdelay $0x1  }
0x16d: {  	v3 =	vadd.s32 v1, v3;
	_ =	sdelay $0x1  }
0x16e: {  	s18 =	simm.s32 $0x10380  }
0x16f: {  	[tilespmem:s18], [sflag:$0x1] =	stream.indirect_vreg.gather [hbm4b:s4+s8], $0x80, v4, vm0, $0xb8;
	[tilespmem:$0x14B80] =	vst v63  }
0x170: {  	s19 =	simm.s32 $0x10F80  }
0x171: {  	[tilespmem:s19], [sflag:$0x1] =	stream.indirect_vreg.gather [hbm4b:s4+s8], $0x80, v3, vm0, $0xb8;
	[tilespmem:$0x14B80] =	vst v63  }
0x172: {  	s20 =	simm.s32 $0xB20;
	s21 =	simm.s32 $0x4380  }
0x173: {  	[tilespmem:s21], [sflag:$0x1] =	stream.indirect.gather [hbm4b:s5+s13], $0x80, s20, s13, $0xb8;
	[tilespmem:$0x14B80] =	vst v63  }
0x174: {  	v3 =	vld [tilespmem:$0xB30];
	_ =	sdelay $0x4  }
0x175: {  	v4 =	vshrl.u32 v3, $0x3  }
0x176: {  	v4 =	vmul.u32 $0x18, v4  }
0x177: {  	v3 =	vand.u32 $0x7, v3  }
0x178: {  	v3 =	vor.u32 v3, v4  }
0x179: {  	v4 =	vperm.xlane v3, v0;
	_ =	sdelay $0x1  }
0x17a: {  	v3 =	vperm.xlane v3, v2;
	v4 =	vadd.s32 v1, v4;
	_ =	sdelay $0x1  }
0x17b: {  	v3 =	vadd.s32 v1, v3;
	_ =	sdelay $0x2  }
0x17c: {  	[tilespmem:s24], [sflag:$0x1] =	stream.indirect_vreg.gather [hbm4b:s4+s8], $0x80, v4, vm0, $0xb8;
	[tilespmem:$0x14B80] =	vst v63  }
0x17d: {  	_ = 	snop  }
0x17e: {  	[tilespmem:s25], [sflag:$0x1] =	stream.indirect_vreg.gather [hbm4b:s4+s8], $0x80, v3, vm0, $0xb8;
	[tilespmem:$0x14B80] =	vst v63  }
0x17f: {  	_ = 	snop  }
0x180: {  	[tilespmem:s28], [sflag:$0x1] =	stream.indirect.gather [hbm4b:s5+s13], $0x80, s26, s13, $0xb8;
	[tilespmem:$0x14B80] =	vst v63  }
0x181: {  	v3 =	vld [tilespmem:$0xB40];
	_ =	sdelay $0x4  }
0x182: {  	v4 =	vshrl.u32 v3, $0x3  }
0x183: {  	v4 =	vmul.u32 $0x18, v4  }
0x184: {  	v3 =	vand.u32 $0x7, v3  }
0x185: {  	v3 =	vor.u32 v3, v4  }
0x186: {  	v4 =	vperm.xlane v3, v0;
	_ =	sdelay $0x1  }
0x187: {  	v3 =	vperm.xlane v3, v2;
	v4 =	vadd.s32 v1, v4;
	_ =	sdelay $0x1  }
0x188: {  	v3 =	vadd.s32 v1, v3;
	_ =	sdelay $0x2  }
0x189: {  	[tilespmem:s29], [sflag:$0x1] =	stream.indirect_vreg.gather [hbm4b:s4+s8], $0x80, v4, vm0, $0xb8;
	[tilespmem:$0x14B80] =	vst v63  }
0x18a: {  	_ = 	snop  }
0x18b: {  	[tilespmem:s30], [sflag:$0x1] =	stream.indirect_vreg.gather [hbm4b:s4+s8], $0x80, v3, vm0, $0xb8;
	[tilespmem:$0x14B80] =	vst v63  }
0x18c: {  	s22 =	simm.s32 $0xBA0  }
0x18d: {  	[tilespmem:s1], [sflag:$0x1] =	stream.indirect.gather [hbm4b:s5+s13], $0x80, s31, s13, $0xb8;
	[tilespmem:$0x14B80] =	vst v63  }
0x18e: {  	s23 =	simm.s32 $0x0;
	v3 =	vld [tilespmem:s22+$0xFFFFFFE0]  }
0x18f: {  	s14 =	smul.u32 $0x3000, s23;
	_ =	sdelay $0x1  }
0x190: {  	s15 =	sand.u32 $0x380, s8;
	s14 =	sshra.s32 s14, $0x2  }
0x191: {  	s14 =	sor.u32 s15, s14  }
0x192: {  	[tilespmem:s14+$0x6380] =	vst v3  }
0x193: {  	v3 =	vld [tilespmem:s22+$0xFFFFFFF0];
	_ =	sdelay $0x4  }
0x194: {  	[tilespmem:s14+$0x6390] =	vst v3  }
0x195: {  	v3 =	vld [tilespmem:s22+$0x0];
	_ =	sdelay $0x4  }
0x196: {  	s12 =	simm.s32 $0xC20;
	[tilespmem:s14+$0x63A0] =	vst v3  }
0x197: {  	s15 =	simm.s32 $0x0;
	s14 =	simm.s32 $0x2;
	v3 =	vld [tilespmem:s12+$0xFFFFFFE0]  }
.LBB2_14:
0x198: {  	p0 =	seq.s32 s14, $0x4F;
	s15 =	smul.u32 $0x3000, s15  }
0x199: {  	s8 =	sadd.s32 $0x80, s8  }
0x19a: {  	s16 =	sand.u32 $0x380, s8;
	s15 =	sshra.s32 s15, $0x2  }
0x19b: {  	s15 =	sor.u32 s16, s15  }
0x19c: {  	[tilespmem:s15+$0x6380] =	vst v3  }
0x19d: {  	v3 =	vld [tilespmem:s12+$0xFFFFFFF0];
	_ =	sdelay $0x4  }
0x19e: {  	[tilespmem:s15+$0x6390] =	vst v3  }
0x19f: {  	v3 =	vld [tilespmem:s12+$0x0];
	_ =	sdelay $0x1  }
.Ltmp13:
0x1a0: {  	(pc) =	sbr.rel @!p0 .LBB2_14-.Ltmp13, $3  }
0x1a1: {  	_ =	sdelay $0x1  }
0x1a2: {  	s12 =	sadd.s32 $0x80, s12;
	[tilespmem:s15+$0x63A0] =	vst v3  }
0x1a3: {  	s15 =	sshrl.u32 s14, $0x3;
	s14 =	sadd.s32 $0x1, s14;
	v3 =	vld [tilespmem:s12+$0xFFFFFFE0]  }
0x1a4: {  	s14 =	smul.u32 $0x3000, s15  }
0x1a5: {  	s8 =	sadd.s32 $0x80, s8  }
0x1a6: {  	s8 =	sand.u32 $0x380, s8;
	s14 =	sshra.s32 s14, $0x2  }
0x1a7: {  	s8 =	sor.u32 s8, s14  }
0x1a8: {  	[tilespmem:s8+$0x6380] =	vst v3  }
0x1a9: {  	v3 =	vld [tilespmem:s12+$0xFFFFFFF0];
	_ =	sdelay $0x4  }
0x1aa: {  	[tilespmem:s8+$0x6390] =	vst v3  }
0x1ab: {  	v3 =	vld [tilespmem:s12+$0x0]  }
.Ltmp14:
0x1ac: {  	_ = 	snop;
	(pc) =	sbr.rel .LBB2_16-.Ltmp14, $3  }
0x1ad: {  	_ =	sdelay $0x1  }
0x1ae: {  	s10 =	sadd.s32 $0xFFFFFFB0, s10;
	s15 =	simm.s32 $0x0  }
0x1af: {  	s14 =	simm.s32 $0x0;
	s12 =	simm.s32 $0x0;
	[tilespmem:s8+$0x63A0] =	vst v3;
	v3 =	vmov s10;
	s8 =	smov.u32 s17  }
.LBB2_19:
0x1b0: {  	s15 =	sadd.s32 $0x1, s15  }
0x1b1: {  	p0 =	sne.s32 s15, $0x5  }
.Ltmp15:
0x1b2: {  	_ = 	snop;
	(pc) =	sbr.rel @!p0 .LBB2_20-.Ltmp15, $2  }
0x1b3: {  	_ =	sdelay $0x2  }
0x1b4: {  	s8 =	sadd.s32 $0x10, s8;
	s14 =	sadd.s32 $0x10, s14  }
.LBB2_16:
0x1b5: {  	_ =	sdelay $0x2  }
0x1b6: {  	s16 =	sshll.u32 s15, $0x4  }
0x1b7: {  	v4 =	vld.idx.msk [tilespmem:v3+s16+$0x0 ss:$0x1], $0xffff;
	_ =	sdelay $0x4  }
0x1b8: {  	vm1 =	vgt.s32 v4, $0x1869F  }
0x1b9: {  	v4 =	vmpcnt.ones.xlane vm1;
	_ =	sdelay $0x1  }
0x1ba: {  	(v2sf) =	vpush v4, $0x0;
	_ =	sdelay $0xe  }
0x1bb: {  	s23 =	spop (v2sf)  }
0x1bc: {  	p0 =	slt.s32 s23, $0x1  }
.Ltmp16:
0x1bd: {  	_ = 	snop;
	(pc) =	sbr.rel @p0 .LBB2_19-.Ltmp16, $1  }
0x1be: {  	_ =	sdelay $0x3  }
0x1bf: {  	v4 =	vld [tilespmem:s8+$0x0];
	_ =	sdelay $0x4  }
0x1c0: {  	(v2sf) =	vpush v4, $0x0;
	_ =	sdelay $0xe  }
0x1c1: {  	s16 =	spop (v2sf)  }
0x1c2: {  	p0 =	slt.s32 s16, $0x186A0  }
0x1c3: {  	s16 =	sshrl.u32 @!p0 s14, $0x3  }
0x1c4: {  	s16 =	smul.u32 @!p0 $0x3000, s16;
	_ =	sdelay $0x1  }
0x1c5: {  	s18 =	sand.u32 @!p0 $0x380, s12;
	s16 =	sshra.s32 @!p0 s16, $0x2  }
0x1c6: {  	v4 =	vimm.f32 @!p0 $0.0e+00;
	s18 =	sor.u32 @!p0 s18, s16  }
0x1c7: {  	[tilespmem:s18+$0x5B80] =	vst @!p0 v4  }
0x1c8: {  	[tilespmem:s18+$0x5B90] =	vst @!p0 v4  }
0x1c9: {  	[tilespmem:s18+$0x5BA0] =	vst @!p0 v4  }
0x1ca: {  	[tilespmem:s18+$0x5BB0] =	vst @!p0 v4  }
0x1cb: {  	[tilespmem:s18+$0x5BC0] =	vst @!p0 v4  }
0x1cc: {  	[tilespmem:s18+$0x5BD0] =	vst @!p0 v4  }
0x1cd: {  	[tilespmem:s18+$0x5BE0] =	vst @!p0 v4  }
0x1ce: {  	[tilespmem:s18+$0x5BF0] =	vst @!p0 v4  }
0x1cf: {  	[tilespmem:s18+$0x5F80] =	vst @!p0 v4  }
0x1d0: {  	[tilespmem:s18+$0x5F90] =	vst @!p0 v4  }
0x1d1: {  	[tilespmem:s18+$0x5FA0] =	vst @!p0 v4  }
0x1d2: {  	[tilespmem:s18+$0x5FB0] =	vst @!p0 v4  }
0x1d3: {  	[tilespmem:s18+$0x5FC0] =	vst @!p0 v4  }
0x1d4: {  	[tilespmem:s18+$0x5FD0] =	vst @!p0 v4  }
0x1d5: {  	[tilespmem:s18+$0x5FE0] =	vst @!p0 v4  }
0x1d6: {  	[tilespmem:s18+$0x5FF0] =	vst @!p0 v4  }
0x1d7: {  	[tilespmem:s18+$0x6380] =	vst @!p0 v4  }
0x1d8: {  	[tilespmem:s18+$0x6390] =	vst @!p0 v4  }
0x1d9: {  	s19 =	smov.u32 s14;
	s16 =	simm.s32 $0x80;
	[tilespmem:s18+$0x63A0] =	vst @!p0 v4;
	s18 =	sadd.s32 $0x1, s8  }
.LBB2_18:
0x1da: {  	v4 =	vld [tilespmem:s18+$0x0];
	s20 =	smov.u32 s16;
	s16 =	sadd.s32 $0x80, s16  }
0x1db: {  	p0 =	sne.s32 s16, $0x800;
	_ =	sdelay $0x3  }
0x1dc: {  	(v2sf) =	vpush v4, $0x0;
	_ =	sdelay $0xe  }
0x1dd: {  	s21 =	spop (v2sf)  }
0x1de: {  	s19 =	sadd.s32 $0x1, s19;
	p1 =	slt.s32 s21, $0x186A0  }
0x1df: {  	s21 =	sshrl.u32 @!p1 s19, $0x3  }
0x1e0: {  	s21 =	smul.u32 @!p1 $0x3000, s21;
	_ =	sdelay $0x1  }
0x1e1: {  	s20 =	sand.u32 @!p1 $0x380, s20;
	s21 =	sshra.s32 @!p1 s21, $0x2  }
0x1e2: {  	v4 =	vimm.f32 @!p1 $0.0e+00;
	s20 =	sor.u32 @!p1 s20, s21  }
0x1e3: {  	[tilespmem:s20+$0x5B80] =	vst @!p1 v4  }
0x1e4: {  	[tilespmem:s20+$0x5B90] =	vst @!p1 v4  }
0x1e5: {  	[tilespmem:s20+$0x5BA0] =	vst @!p1 v4  }
0x1e6: {  	[tilespmem:s20+$0x5BB0] =	vst @!p1 v4  }
0x1e7: {  	[tilespmem:s20+$0x5BC0] =	vst @!p1 v4  }
0x1e8: {  	[tilespmem:s20+$0x5BD0] =	vst @!p1 v4  }
0x1e9: {  	[tilespmem:s20+$0x5BE0] =	vst @!p1 v4  }
0x1ea: {  	[tilespmem:s20+$0x5BF0] =	vst @!p1 v4  }
0x1eb: {  	[tilespmem:s20+$0x5F80] =	vst @!p1 v4  }
0x1ec: {  	[tilespmem:s20+$0x5F90] =	vst @!p1 v4  }
0x1ed: {  	[tilespmem:s20+$0x5FA0] =	vst @!p1 v4  }
0x1ee: {  	[tilespmem:s20+$0x5FB0] =	vst @!p1 v4  }
0x1ef: {  	[tilespmem:s20+$0x5FC0] =	vst @!p1 v4  }
0x1f0: {  	[tilespmem:s20+$0x5FD0] =	vst @!p1 v4  }
.Ltmp17:
0x1f1: {  	[tilespmem:s20+$0x5FE0] =	vst @!p1 v4;
	(pc) =	sbr.rel @p0 .LBB2_18-.Ltmp17, $4  }
0x1f2: {  	[tilespmem:s20+$0x5FF0] =	vst @!p1 v4  }
0x1f3: {  	[tilespmem:s20+$0x6380] =	vst @!p1 v4  }
0x1f4: {  	[tilespmem:s20+$0x6390] =	vst @!p1 v4  }
0x1f5: {  	s18 =	sadd.s32 $0x1, s18;
	[tilespmem:s20+$0x63A0] =	vst @!p1 v4  }
.Ltmp18:
0x1f6: {  	_ = 	snop;
	(pc) =	sbr.rel .LBB2_19-.Ltmp18, $1  }
0x1f7: {  	_ =	sdelay $0x3  }
.LBB2_22:
0x1f8: {  	s9 =	simm.s32 $0x33A0  }
0x1f9: {  	s8 =	simm.s32 $0x0;
	v3 =	vld [tilespmem:s9+$0xFFFFFFE0]  }
0x1fa: {  	s10 =	smul.u32 $0x3000, s8  }
0x1fb: {  	s8 =	simm.s32 $0x0  }
0x1fc: {  	s12 =	sand.u32 $0x380, s8;
	s10 =	sshra.s32 s10, $0x2  }
0x1fd: {  	s10 =	sor.u32 s12, s10  }
0x1fe: {  	[tilespmem:s10+$0xDB80] =	vst v3  }
0x1ff: {  	v3 =	vld [tilespmem:s9+$0xFFFFFFF0];
	_ =	sdelay $0x4  }
0x200: {  	[tilespmem:s10+$0xDB90] =	vst v3  }
0x201: {  	v3 =	vld [tilespmem:s9+$0x0];
	_ =	sdelay $0x4  }
0x202: {  	s9 =	simm.s32 $0x3420;
	[tilespmem:s10+$0xDBA0] =	vst v3  }
0x203: {  	s14 =	simm.s32 $0x0;
	s12 =	simm.s32 $0x2;
	s10 =	simm.s32 $0x0;
	v3 =	vld [tilespmem:s9+$0xFFFFFFE0]  }
.LBB2_23:
0x204: {  	p0 =	sne.s32 s12, $0x4F;
	s14 =	smul.u32 $0x3000, s14  }
0x205: {  	s10 =	sadd.s32 $0x80, s10  }
0x206: {  	s15 =	sand.u32 $0x380, s10;
	s14 =	sshra.s32 s14, $0x2  }
0x207: {  	s14 =	sor.u32 s15, s14  }
0x208: {  	[tilespmem:s14+$0xDB80] =	vst v3  }
0x209: {  	v3 =	vld [tilespmem:s9+$0xFFFFFFF0];
	_ =	sdelay $0x4  }
0x20a: {  	[tilespmem:s14+$0xDB90] =	vst v3  }
0x20b: {  	v3 =	vld [tilespmem:s9+$0x0];
	_ =	sdelay $0x1  }
.Ltmp19:
0x20c: {  	(pc) =	sbr.rel @p0 .LBB2_23-.Ltmp19, $3  }
0x20d: {  	_ =	sdelay $0x1  }
0x20e: {  	s9 =	sadd.s32 $0x80, s9;
	[tilespmem:s14+$0xDBA0] =	vst v3  }
0x20f: {  	s14 =	sshrl.u32 s12, $0x3;
	s12 =	sadd.s32 $0x1, s12;
	v3 =	vld [tilespmem:s9+$0xFFFFFFE0]  }
0x210: {  	s12 =	smul.u32 $0x3000, s14  }
0x211: {  	s10 =	sadd.s32 $0x80, s10  }
0x212: {  	s10 =	sand.u32 $0x380, s10;
	s12 =	sshra.s32 s12, $0x2  }
0x213: {  	s10 =	sor.u32 s10, s12  }
0x214: {  	[tilespmem:s10+$0xDB80] =	vst v3  }
0x215: {  	v3 =	vld [tilespmem:s9+$0xFFFFFFF0];
	_ =	sdelay $0x4  }
0x216: {  	[tilespmem:s10+$0xDB90] =	vst v3  }
0x217: {  	v3 =	vld [tilespmem:s9+$0x0]  }
.Ltmp20:
0x218: {  	_ = 	snop;
	(pc) =	sbr.rel .LBB2_25-.Ltmp20, $2  }
0x219: {  	_ =	sdelay $0x2  }
0x21a: {  	s9 =	simm.s32 $0x9B0;
	[tilespmem:s10+$0xDBA0] =	vst v3;
	s10 =	simm.s32 $0x0  }
.LBB2_28:
0x21b: {  	s10 =	sadd.s32 $0x1, s10  }
0x21c: {  	p0 =	sne.s32 s10, $0x5  }
.Ltmp21:
0x21d: {  	_ = 	snop;
	(pc) =	sbr.rel @!p0 .LBB2_29-.Ltmp21, $2  }
0x21e: {  	_ =	sdelay $0x2  }
0x21f: {  	s9 =	sadd.s32 $0x10, s9;
	s8 =	sadd.s32 $0x10, s8  }
.LBB2_25:
0x220: {  	s12 =	sshll.u32 s10, $0x4  }
0x221: {  	v3 =	vld [tilespmem:s12+$0x9B0];
	_ =	sdelay $0x4  }
0x222: {  	vm1 =	vgt.s32 v3, $0x1869F  }
0x223: {  	v3 =	vmpcnt.ones.xlane vm1;
	_ =	sdelay $0x1  }
0x224: {  	(v2sf) =	vpush v3, $0x0;
	_ =	sdelay $0xe  }
0x225: {  	s23 =	spop (v2sf)  }
0x226: {  	p0 =	slt.s32 s23, $0x1  }
.Ltmp22:
0x227: {  	_ = 	snop;
	(pc) =	sbr.rel @p0 .LBB2_28-.Ltmp22, $2  }
0x228: {  	_ =	sdelay $0x2  }
0x229: {  	s12 =	simm.s32 $0x0  }
0x22a: {  	v3 =	vld [tilespmem:s9+$0x0];
	_ =	sdelay $0x4  }
0x22b: {  	(v2sf) =	vpush v3, $0x0;
	_ =	sdelay $0xe  }
0x22c: {  	s14 =	spop (v2sf)  }
0x22d: {  	p0 =	slt.s32 s14, $0x186A0  }
0x22e: {  	s14 =	sshrl.u32 @!p0 s8, $0x3  }
0x22f: {  	s14 =	smul.u32 @!p0 $0x3000, s14;
	_ =	sdelay $0x1  }
0x230: {  	s12 =	sand.u32 @!p0 $0x380, s12;
	s14 =	sshra.s32 @!p0 s14, $0x2  }
0x231: {  	v3 =	vimm.f32 @!p0 $0.0e+00;
	s14 =	sor.u32 @!p0 s12, s14  }
0x232: {  	[tilespmem:s14+$0xD380] =	vst @!p0 v3  }
0x233: {  	[tilespmem:s14+$0xD390] =	vst @!p0 v3  }
0x234: {  	[tilespmem:s14+$0xD3A0] =	vst @!p0 v3  }
0x235: {  	[tilespmem:s14+$0xD3B0] =	vst @!p0 v3  }
0x236: {  	[tilespmem:s14+$0xD3C0] =	vst @!p0 v3  }
0x237: {  	[tilespmem:s14+$0xD3D0] =	vst @!p0 v3  }
0x238: {  	[tilespmem:s14+$0xD3E0] =	vst @!p0 v3  }
0x239: {  	[tilespmem:s14+$0xD3F0] =	vst @!p0 v3  }
0x23a: {  	[tilespmem:s14+$0xD780] =	vst @!p0 v3  }
0x23b: {  	[tilespmem:s14+$0xD790] =	vst @!p0 v3  }
0x23c: {  	[tilespmem:s14+$0xD7A0] =	vst @!p0 v3  }
0x23d: {  	[tilespmem:s14+$0xD7B0] =	vst @!p0 v3  }
0x23e: {  	[tilespmem:s14+$0xD7C0] =	vst @!p0 v3  }
0x23f: {  	[tilespmem:s14+$0xD7D0] =	vst @!p0 v3  }
0x240: {  	[tilespmem:s14+$0xD7E0] =	vst @!p0 v3  }
0x241: {  	[tilespmem:s14+$0xD7F0] =	vst @!p0 v3  }
0x242: {  	[tilespmem:s14+$0xDB80] =	vst @!p0 v3  }
0x243: {  	[tilespmem:s14+$0xDB90] =	vst @!p0 v3  }
0x244: {  	s15 =	smov.u32 s8;
	s12 =	simm.s32 $0x80;
	[tilespmem:s14+$0xDBA0] =	vst @!p0 v3;
	s14 =	sadd.s32 $0x1, s9  }
.LBB2_27:
0x245: {  	v3 =	vld [tilespmem:s14+$0x0];
	s16 =	smov.u32 s12;
	s12 =	sadd.s32 $0x80, s12  }
0x246: {  	p0 =	sne.s32 s12, $0x800;
	_ =	sdelay $0x3  }
0x247: {  	(v2sf) =	vpush v3, $0x0;
	_ =	sdelay $0xe  }
0x248: {  	s17 =	spop (v2sf)  }
0x249: {  	s15 =	sadd.s32 $0x1, s15;
	p1 =	slt.s32 s17, $0x186A0  }
0x24a: {  	s17 =	sshrl.u32 @!p1 s15, $0x3  }
0x24b: {  	s17 =	smul.u32 @!p1 $0x3000, s17;
	_ =	sdelay $0x1  }
0x24c: {  	s16 =	sand.u32 @!p1 $0x380, s16;
	s17 =	sshra.s32 @!p1 s17, $0x2  }
0x24d: {  	v3 =	vimm.f32 @!p1 $0.0e+00;
	s16 =	sor.u32 @!p1 s16, s17  }
0x24e: {  	[tilespmem:s16+$0xD380] =	vst @!p1 v3  }
0x24f: {  	[tilespmem:s16+$0xD390] =	vst @!p1 v3  }
0x250: {  	[tilespmem:s16+$0xD3A0] =	vst @!p1 v3  }
0x251: {  	[tilespmem:s16+$0xD3B0] =	vst @!p1 v3  }
0x252: {  	[tilespmem:s16+$0xD3C0] =	vst @!p1 v3  }
0x253: {  	[tilespmem:s16+$0xD3D0] =	vst @!p1 v3  }
0x254: {  	[tilespmem:s16+$0xD3E0] =	vst @!p1 v3  }
0x255: {  	[tilespmem:s16+$0xD3F0] =	vst @!p1 v3  }
0x256: {  	[tilespmem:s16+$0xD780] =	vst @!p1 v3  }
0x257: {  	[tilespmem:s16+$0xD790] =	vst @!p1 v3  }
0x258: {  	[tilespmem:s16+$0xD7A0] =	vst @!p1 v3  }
0x259: {  	[tilespmem:s16+$0xD7B0] =	vst @!p1 v3  }
0x25a: {  	[tilespmem:s16+$0xD7C0] =	vst @!p1 v3  }
0x25b: {  	[tilespmem:s16+$0xD7D0] =	vst @!p1 v3  }
.Ltmp23:
0x25c: {  	[tilespmem:s16+$0xD7E0] =	vst @!p1 v3;
	(pc) =	sbr.rel @p0 .LBB2_27-.Ltmp23, $4  }
0x25d: {  	[tilespmem:s16+$0xD7F0] =	vst @!p1 v3  }
0x25e: {  	[tilespmem:s16+$0xDB80] =	vst @!p1 v3  }
0x25f: {  	[tilespmem:s16+$0xDB90] =	vst @!p1 v3  }
0x260: {  	s14 =	sadd.s32 $0x1, s14;
	[tilespmem:s16+$0xDBA0] =	vst @!p1 v3  }
.Ltmp24:
0x261: {  	_ = 	snop;
	(pc) =	sbr.rel .LBB2_28-.Ltmp24, $1  }
0x262: {  	_ =	sdelay $0x3  }
.LBB2_30:
0x263: {  	_ =	sfence.sel $0x180000  }
0x264: {  	[bflag:$0x0] =	sbarrier.arrive $0xFFFF  }
0x265: {  	_ =	strace $0x90000047  }
0x266: {  	s0 =	stileid.u32;
	[bflag:$0x2] =	sbarrier.arrive $0xFFFF  }
0x267: {  	p0 =	sne.s32 s0, $0x0;
	s0 =	rddreg [dreg:$0x1]  }
0x268: {  	s0 =	sadd.s32 @!p0 $0x100000, s0  }
0x269: {  	[sflag:s0] =	ssyncadd.tile.s32 @!p0 $0x1;
	_ =	shalt  }
.Lfunc_end2:
_tile_overlayer_lowered:
.L_overlay_start_2:
0x26a: {  	(tag) =	ssettag $0x2  }
0x26b: {  	s0 =	rddreg [dreg:$0x0];
	s2 =	stileid.u32  }
0x26c: {  	s1 =	rddreg [dreg:$0x1];
	p0 =	sne.s32 s2, $0x0  }
0x26d: {  	s3 =	rddreg [dreg:$0x2];
	[bflag:$0x3] =	sbarrier.arrive $0xFFFF;
	s2 =	simm.s32 @!p0 $0x1C04  }
0x26e: {  	[timem:s3], [sflag:s2] =	dma.local @!p0 [hbm:s0], s1  }
0x26f: {  	s0 =	simm.s32 @!p0 $0x4  }
0x270: {  	_ =	swait.ge @!p0 [sflag:s0], s1  }
0x271: {  	s1 =	ssub.s32 @!p0 $0x0, s1;
	[sflag:s0] =	ssyncset.done @!p0 $0x0  }
0x272: {  	[sflag:s0] =	ssyncadd.s32 @!p0 s1  }
0x273: {  	[bflag:$0x3] =	sbarrier.arrive $0xFFFF  }
0x274: {  	_ =	shalt  }

// kernel: sparse-core-data-format-call.cloned.1.call-start
scs
called_computation_lowered:
.L_overlay_start_0:
0x0: {  	s2 =	sld [smem:$0x3FD9]  }
0x1: {  	s3 =	sld [smem:$0x3FFE];
	_ =	sdelay $0x1  }
0x2: {  	s1 =	srdreg.scid  }
0x3: {  	s0 =	sand.u32 $0x1, s1  }
0x4: {  	s18 =	sshll.u32 s0, $0xA;
	s2 =	sadd.s32 s3, s2  }
0x5: {  	s2 =	sadd.s32 s2, s18  }
0x6: {  	[smem:$0x3FC6] =	sst s2  }
0x7: {  	_ = 	snop  }
0x8: {  	s2 =	sld [smem:$0x3FD0];
	(tm) =	ssettm $0x1  }
0x9: {  	s19 =	sld [smem:$0x3FFB];
	_ =	sdelay $0x3  }
0xa: {  	_ =	strace s19  }
0xb: {  	s3 =	sld [smem:$0x3FFC];
	_ =	sdelay $0x3  }
0xc: {  	_ =	strace s3  }
0xd: {  	s3 =	sld [smem:$0x3FFD];
	_ =	sdelay $0x3  }
0xe: {  	_ =	strace s3  }
0xf: {  	_ =	strace $0x8FFFFFFF  }
0x10: {  	s20 =	sld [smem:$0x3FDB];
	_ =	sdelay $0x1  }
0x11: {  	s4 =	simm.s32 $_scs_section_size  }
0x12: {  	s5 =	simm.s32 $_size__tile_overlayer_lowered;
	s6 =	simm.s32 $_tile_overlayer_lowered  }
0x13: {  	s23 =	simm.s32 $0x1BFF;
	s22 =	sshll.u32 s6, $0x1;
	s3 =	sadd.s32 s4, s20  }
0x14: {  	s7 =	simm.s32 $0x0;
	s21 =	sshll.u32 s5, $0x1;
	s5 =	sadd.s32 s22, s3  }
0x15: {  	[timem:s7], [sflag:s23] =	dma.local [hbm:s5], s21  }
0x16: {  	_ =	swait.ge [sflag:s23], s21  }
0x17: {  	s4 =	ssub.s32 $0x0, s21;
	[sflag:s23] =	ssyncset.done $0x0  }
0x18: {  	[sflag:s23] =	ssyncadd.s32 s4;
	_ =	sdelay $0x1  }
0x19: {  	s24 =	simm.s32 $0x1B8B  }
0x1a: {  	_ =	swait.ge [sflag:s24], $0x1  }
0x1b: {  	[sflag:s24] =	ssyncset.done $0x0  }
0x1c: {  	s26 =	simm.s32 $0x1B8E;
	s25 =	sld [smem:$0x3FFE];
	[sflag:s24] =	ssyncadd.s32 $0xFFFFFFFF  }
0x1d: {  	s27 =	simm.s32 $execute0_lowered;
	[smem:$0x3FD2] =	sst s26  }
0x1e: {  	s5 =	sshll.u32 s27, $0x1;
	_ =	strace $0x80000049;
	[dreg:$0x1] =	wrdreg $0xFFFFFFFF  }
0x1f: {  	s28 =	simm.s32 $_size_execute0_lowered;
	s3 =	sadd.s32 s3, s5;
	[dreg:$0x0] =	wrdreg $0x0  }
0x20: {  	s5 =	sshll.u32 s28, $0x1;
	[dreg:$0x2] =	wrdreg s3  }
0x21: {  	[dreg:$0x3] =	wrdreg s5  }
0x22: {  	[dreg:$0x4] =	wrdreg $0xC0  }
0x23: {  	_ =	task [dreg:s7], $0x5FFFF  }
0x24: {  	[dreg:$0x1] =	wrdreg $0xFFFFFFFF  }
0x25: {  	[dreg:$0x0] =	wrdreg $0x60  }
0x26: {  	[dreg:$0x2] =	wrdreg s25  }
0x27: {  	[dreg:$0x3] =	wrdreg s2  }
0x28: {  	[dreg:$0x4] =	wrdreg $0x9  }
0x29: {  	_ =	task.clear_ibuf [dreg:s7], $0x5FFFF;
	_ =	strace $0x90000049  }
0x2a: {  	s29 =	simm.s32 $0x9;
	_ =	strace $0x8000004B  }
0x2b: {  	_ =	swait.ge [sflag:s29], $0x1  }
0x2c: {  	[sflag:s29] =	ssyncadd.s32 $0xFFFFFFFF  }
0x2d: {  	_ =	strace $0x9000004B  }
0x2e: {  	_ =	sfence  }
0x2f: {  	s30 =	sld [smem:$0x0];
	_ =	sdelay $0x2  }
0x30: {  	s31 =	sshll.u32 s1, $0xD;
	s1 =	sshrl.u32 s1, $0x2  }
0x31: {  	s3 =	sand.u32 $0x4000, s31;
	s1 =	sadd.s32 s1, s30  }
0x32: {  	s0 =	sor.u32 s3, s0;
	s1 =	sshll.u32 s1, $0x11  }
0x33: {  	s0 =	sor.u32 s1, s0  }
0x34: {  	s0 =	sadd.s32 $0x8F2B, s0  }
0x35: {  	[sflag:s0] =	ssyncadd.remote.s32 $0x1  }
0x36: {  	_ =	sfence.sel $0xFFFF  }
0x37: {  	[dreg:$0x0] =	wrdreg $0xFFFFFFFF;
	(pc) =	sbr.abs _section_cstart, $3  }
0x38: {  	[dreg:$0x1] =	wrdreg $0xFFFFFFFF  }
0x39: {  	_ =	task.clear_ibuf [dreg:s7], $0x2FFFF;
	_ =	strace $0x9FFFFFFF  }
0x3a: {  	(tm) =	ssettm $0x7FFFFFFF  }
0x3b: {  	_ =	shalt  }
tec
execute0_lowered:
.L_overlay_start_1:
0x0: {  	(tag) =	ssettag $0x1  }
0x1: {  	s0 =	srdreg.scid;
	s6 =	rddreg [dreg:$0x0]  }
0x2: {  	s3 =	rddreg [dreg:$0x1];
	s1 =	sshll.u32 s0, $0x4  }
0x3: {  	s5 =	simm.s32 $0x1;
	s0 =	stileid.u32;
	s1 =	sand.u32 $0x10, s1  }
0x4: {  	s31 =	simm.s32 $0x2;
	s16 =	simm.s32 $0x0;
	s1 =	sor.u32 s0, s1  }
0x5: {  	s8 =	simm.s32 $0x8000;
	s18 =	simm.s32 $0x0;
	s2 =	sshll.u32 s1, $0x7  }
0x6: {  	s17 =	simm.s32 $0x0;
	s9 =	simm.s32 $0x0;
	s4 =	ssub.s32 $0x1000, s2  }
0x7: {  	s10 =	simm.s32 $0x0;
	s11 =	simm.s32 $0x0;
	s30 =	sand.u32 $0xF80, s4  }
0x8: {  	s12 =	simm.s32 $0x0;
	s13 =	simm.s32 $0x0;
	p0 =	sne.s32 s30, $0x0  }
.Ltmp0:
0x9: {  	s7 =	sshrl.u32 s4, $0xC;
	s5 =	simm.s32 @!p0 $0x0;
	(pc) =	sbr.rel .LBB1_1-.Ltmp0, $4  }
0xa: {  	s15 =	simm.s32 $0x0;
	s1 =	rddreg [dreg:$0x2];
	s5 =	sadd.s32 s5, s7  }
0xb: {  	_ =	strace $0x8000004A;
	s4 =	simm.s32 $0x1;
	s5 =	smul.u32 $0x3C, s5  }
0xc: {  	s6 =	sadd.s32 $0x800, s6;
	s14 =	smov.u32 s2;
	[sflag:s4] =	ssyncpa.u1 $0x0  }
0xd: {  	[sflag:s31] =	ssyncpa.u1 $0x0;
	p0 =	por $0x0, $0x0;
	s7 =	sor.u32 $0x1, s5  }
.LBB1_4:
0xe: {  	s23 =	sshra.s32 s23, $0x2;
	s30 =	sshll.u32 s9, $0xC  }
0xf: {  	p1 =	sgt.s32 s10, $0x13;
	s24 =	smov.u32 s10;
	s25 =	sshra.s32 s10, $0x1F  }
0x10: {  	s26 =	sshll.u32 s11, $0x3;
	s28 =	smov.u32 s11;
	s29 =	sshra.s32 s11, $0x1F  }
0x11: {  	s22 =	sadd.s32 s23, s22;
	s24 =	simm.s32 @!p1 $0x13;
	s25 =	sand.u32 s25, s10  }
0x12: {  	s23 =	sand.u32 $0xFFFF8000, s30;
	s27 =	sand.u32 $0xFFFFFC00, s26;
	p1 =	sgt.s32 s9, $0xB0  }
0x13: {  	s31 =	sand.u32 s29, s11;
	s29 =	sshll.u32 s9, $0x7;
	s30 =	sshra.s32 s9, $0x1F  }
0x14: {  	[tilespmem:s21+$0x2040 ss:$0x81] =	vst.msk $0xffff, v4;
	s24 =	ssub.s32 s24, s25;
	s23 =	sadd.s32 s27, s23;
	s27 =	smov.u32 s9  }
0x15: {  	[tilespmem:s21+$0x2850 ss:$0x81] =	vst.msk $0xffff, v3;
	s29 =	sand.u32 $0x380, s29;
	s25 =	sadd.s32 $0xFFFFFFED, s24;
	s27 =	simm.s32 @!p1 $0xB0  }
0x16: {  	v5 =	vld [tilespmem:s20+$0xFFFFFFD0];
	[tilespmem:s21+$0x3060 ss:$0x81] =	vst.msk $0xffff, v2;
	p1 =	sgt.s32 s11, $0xF80;
	s23 =	sshrl.u32 s23, $0xC;
	s24 =	ssub.s32 $0x14, s24  }
0x17: {  	v58 =	vld [tilespmem:s20+$0xFFFFFFE0];
	[tilespmem:s21+$0x0 ss:$0x81] =	vst.msk $0xffff, v1;
	s28 =	simm.s32 @!p1 $0xF80;
	p1 =	sgt.s32 s25, $0x0;
	s21 =	smulhi.u32 $0xD79436, s23  }
0x18: {  	v59 =	vld [tilespmem:s20+$0xFFFFFFF0];
	s25 =	ssub.s32 s28, s31;
	s28 =	sand.u32 s30, s9;
	s24 =	simm.s32 @p1 $0x0  }
0x19: {  	v60 =	vld [tilespmem:s20+$0x0];
	s27 =	ssub.s32 s27, s28;
	s31 =	sadd.s32 $0xFFFFF080, s25;
	s25 =	ssub.s32 $0x1000, s25  }
0x1a: {  	v61 =	vld [tilespmem:s20+$0x10];
	[tilespmem:s22+$0x3870 ss:$0x81] =	vst.msk $0xffff, v0;
	s21 =	smul.u32 $0x130, s21;
	s28 =	sand.u32 $0x7, s11;
	p1 =	sgt.s32 s31, $0x7F  }
0x1b: {  	v62 =	vld [tilespmem:s20+$0x20];
	[tilespmem:s22+$0x810 ss:$0x81] =	vst.msk $0xffff, v5;
	s30 =	sadd.s32 $0xFFFFFF50, s27;
	s31 =	sand.u32 $0x78, s11;
	s25 =	simm.s32 @p1 $0x0  }
0x1c: {  	v63 =	vld [tilespmem:s20+$0xFFFFFFC0];
	[tilespmem:s22+$0x1020 ss:$0x81] =	vst.msk $0xffff, v58;
	p1 =	sgt.s32 s30, $0x7F;
	s30 =	sand.u32 $0xC00, s26;
	s24 =	smul.u32 s25, s24  }
0x1d: {  	[tilespmem:s22+$0x1830 ss:$0x81] =	vst.msk $0xffff, v59;
	s26 =	ssub.s32 $0x130, s27;
	s20 =	sor.u32 s31, s30;
	s31 =	smul.u32 $0x26000, s10  }
0x1e: {  	[tilespmem:s22+$0x2040 ss:$0x81] =	vst.msk $0xffff, v60;
	s21 =	ssub.s32 s23, s21;
	s26 =	simm.s32 @p1 $0x0;
	s20 =	sor.u32 s29, s20  }
0x1f: {  	[tilespmem:s22+$0x2850 ss:$0x81] =	vst.msk $0xffff, v61;
	s26 =	smul.u32 s26, s24;
	s20 =	sshrl.u32 s20, $0x3;
	s27 =	sadd.s32 s3, s31  }
0x20: {  	[tilespmem:s22+$0x3060 ss:$0x81] =	vst.msk $0xffff, v62;
	s21 =	sshll.u32 s21, $0x9;
	s29 =	sshll.u32 s28, $0x12;
	s20 =	sadd.s32 s20, s27  }
0x21: {  	[tilespmem:s22+$0x0 ss:$0x81] =	vst.msk $0xffff, v63;
	s31 =	sor.u32 $0x400, s29;
	s30 =	sand.u32 $0x3FFFFFFF, s26;
	s20 =	sadd.s32 s21, s20  }
0x22: {  	[hbm4b:s20+s31] =	stream.strided.scatter [tilespmem:s19], [sflag:$0x2], s30, s8, s31, $0x20;
	[tilespmem:$0x10100] =	vst v63  }
.LBB1_5:
0x23: {  	p1 =	slt.u32 s15, $0x2  }
0x24: {  	p2 =	sgt.s32 @!p1 s18, $0x13  }
0x25: {  	s19 =	smov.u32 s18;
	s20 =	sshra.s32 @!p1 s18, $0x1F;
	p2 =	por !p2, p1  }
0x26: {  	s18 =	sand.u32 @!p1 s20, s18;
	s19 =	simm.s32 @p2 $0x13  }
0x27: {  	p3 =	sgt.s32 @!p1 s16, $0xB0;
	s18 =	ssub.s32 @!p1 s19, s18  }
0x28: {  	p4 =	sgt.s32 @!p1 s17, $0xF80;
	s21 =	sshra.s32 @!p1 s17, $0x1F;
	s19 =	sadd.s32 @!p1 $0xFFFFFFED, s18  }
0x29: {  	s20 =	smov.u32 s16;
	p2 =	sgt.s32 @!p1 s19, $0x0;
	s19 =	sshra.s32 @!p1 s16, $0x1F  }
0x2a: {  	p4 =	por !p4, p1;
	s16 =	sand.u32 @!p1 s19, s16;
	s19 =	smov.u32 s17  }
0x2b: {  	p3 =	por !p3, p1;
	s17 =	sand.u32 @!p1 s21, s17;
	s19 =	simm.s32 @p4 $0xF80  }
0x2c: {  	s20 =	simm.s32 @p3 $0xB0;
	s18 =	ssub.s32 @!p1 $0x14, s18;
	s17 =	ssub.s32 @!p1 s19, s17  }
0x2d: {  	p2 =	por !p2, p1;
	s16 =	ssub.s32 @!p1 s20, s16;
	s20 =	sadd.s32 @!p1 $0xFFFFF080, s17  }
0x2e: {  	s18 =	simm.s32 @!p2 $0x0;
	p3 =	sgt.s32 @!p1 s20, $0x7F  }
0x2f: {  	s19 =	sadd.s32 @!p1 $0xFFFFFF50, s16;
	s17 =	ssub.s32 @!p1 $0x1000, s17;
	p3 =	por !p3, p1  }
0x30: {  	p2 =	sgt.s32 @!p1 s19, $0x7F;
	s19 =	sadd.s32 $0x80, s12;
	s17 =	simm.s32 @!p3 $0x0  }
0x31: {  	p3 =	sgt.s32 s19, $0x12B;
	s17 =	smul.u32 @!p1 s17, s18;
	s18 =	simm.s32 $0x1  }
0x32: {  	s16 =	ssub.s32 @!p1 $0x130, s16;
	p2 =	por !p2, p1;
	s18 =	simm.s32 @!p3 $0x0  }
0x33: {  	s21 =	smov.u32 s14;
	s16 =	simm.s32 @!p2 $0x0;
	s20 =	sadd.s32 s18, s13  }
0x34: {  	s16 =	smul.u32 @!p1 s16, s17;
	s17 =	sadd.s32 $0x1000, s14;
	p2 =	sgt.s32 s20, $0x13  }
0x35: {  	p0 =	por !p0, !p0;
	s22 =	simm.s32 @!p1 $0x2;
	s21 =	smov.u32 @p2 s17  }
0x36: {  	s19 =	simm.s32 @p3 $0x0;
	s20 =	simm.s32 @p2 $0x0;
	p2 =	sgt.s32 s21, $0xFFF  }
0x37: {  	s18 =	smov.u32 s10;
	s21 =	smov.u32 @p2 s2;
	p2 =	sne.s32 s15, s7  }
.Ltmp1:
0x38: {  	s10 =	smov.u32 s13;
	s16 =	sand.u32 @!p1 $0x3FFFFFFF, s16;
	(pc) =	sbr.rel @!p2 .LBB1_6-.Ltmp1, $4  }
0x39: {  	s17 =	smov.u32 s11;
	s11 =	smov.u32 s14;
	_ =	swait.ge @!p1 [sflag:s22], s16  }
0x3a: {  	s23 =	ssub.s32 @!p1 $0x0, s16;
	s16 =	smov.u32 s9;
	s9 =	smov.u32 s12  }
0x3b: {  	s12 =	smov.u32 s19;
	s13 =	smov.u32 s20;
	[sflag:s22] =	ssyncset.done @!p1 $0x0  }
0x3c: {  	s15 =	sadd.s32 $0x1, s15;
	[sflag:s22] =	ssyncadd.s32 @!p1 s23;
	s14 =	smov.u32 s21  }
.LBB1_1:
0x3d: {  	p1 =	sge.u32 s15, s5  }
0x3e: {  	s19 =	sshrl.u32 @!p1 s13, $0x3  }
0x3f: {  	s20 =	sshll.u32 @!p1 s12, $0x3;
	s19 =	smul.u32 @!p1 $0xC00, s19  }
0x40: {  	s21 =	sshll.u32 @!p1 s13, $0x7;
	s20 =	sand.u32 @!p1 $0xFFFFFC00, s20  }
0x41: {  	s19 =	sadd.s32 @!p1 s19, s20;
	s20 =	sand.u32 @!p1 $0x380, s21  }
0x42: {  	s19 =	sor.u32 @!p1 s20, s19  }
0x43: {  	s20 =	sand.u32 @!p1 $0x7F, s12;
	s21 =	smulhi.u32 @!p1 $0xAAAAAAAB, s19  }
0x44: {  	s19 =	sor.u32 @!p1 s20, s19  }
0x45: {  	s20 =	smulhi.u32 @!p1 $0xAAAAAAAB, s19;
	s21 =	sshrl.u32 @!p1 s21, $0x8  }
0x46: {  	s22 =	smulhi.u32 @!p1 $0xAAAAAAB, s21;
	_ =	sdelay $0x1  }
0x47: {  	s20 =	sshrl.u32 @!p1 s20, $0x8;
	s22 =	smul.u32 @!p1 $0x18, s22  }
0x48: {  	s31 =	sadd.s32 $0xFFFFFFFF, s15;
	s20 =	smul.u32 @!p1 $0x180, s20  }
0x49: {  	s23 =	sxor.u32 @!p1 $0xFFFFFFFF, s15;
	s21 =	ssub.s32 @!p1 s21, s22;
	s22 =	smul.u32 @!p1 $0x480, s14  }
0x4a: {  	s23 =	sshll.u32 @!p1 s23, $0xE;
	s19 =	ssub.s32 @!p1 s19, s20;
	s20 =	smul.u32 @!p1 $0x30, s21  }
0x4b: {  	s21 =	sand.u32 @!p1 $0x4000, s23;
	s23 =	sand.u32 @!p1 $0x7, s19;
	s22 =	sadd.s32 @!p1 s6, s22  }
0x4c: {  	s19 =	sshrl.u32 @!p1 s19, $0x3;
	s20 =	sadd.s32 @!p1 s20, s22;
	s22 =	sshll.u32 @!p1 s23, $0x12  }
0x4d: {  	s19 =	sadd.s32 @!p1 s19, s20;
	s20 =	sor.u32 @!p1 $0x80, s22;
	s22 =	simm.s32 @!p1 $0x2400  }
0x4e: {  	[tilespmem:s21], [sflag:$0x1] =	stream.strided.gather @!p1 [hbm4b:s19+s20], $0x4000, s22, s20, $0x38;
	[tilespmem:$0x10100] =	vst v63  }
0x4f: {  	p1 =	sge.u32 s31, s5  }
.Ltmp2:
0x50: {  	_ = 	snop;
	(pc) =	sbr.rel @p1 .LBB1_5-.Ltmp2, $1  }
0x51: {  	_ =	sdelay $0x3  }
0x52: {  	s19 =	simm.s32 $0x1  }
0x53: {  	_ =	swait.ge [sflag:s4], $0x4000;
	s19 =	simm.s32 @!p0 $0x0  }
0x54: {  	[sflag:s4] =	ssyncset.done $0x0;
	s20 =	sshll.u32 s19, $0xE  }
0x55: {  	[sflag:s4] =	ssyncadd.s32 $0xFFFFC000;
	s20 =	sor.u32 $0x40, s20  }
0x56: {  	s19 =	smul.u32 $0x10200, s19;
	v0 =	vld [tilespmem:s20+$0x30]  }
0x57: {  	v1 =	vld [tilespmem:s20+$0xFFFFFFD0]  }
0x58: {  	s19 =	sshrl.u32 s19, $0x2;
	v5 =	vld [tilespmem:s20+$0xFFFFFFE0]  }
0x59: {  	v6 =	vld [tilespmem:s20+$0xFFFFFFF0];
	s22 =	sor.u32 $0x8000, s19  }
0x5a: {  	s31 =	sand.u32 $0x1, s15;
	v4 =	vld [tilespmem:s20+$0x0];
	s21 =	sadd.s32 $0x0, s22  }
0x5b: {  	v3 =	vld [tilespmem:s20+$0x10];
	s19 =	smul.u32 $0x10200, s31;
	[tilespmem:s21+$0x3870 ss:$0x81] =	vst.msk $0xffff, v0  }
0x5c: {  	v2 =	vld [tilespmem:s20+$0x20];
	[tilespmem:s21+$0x810 ss:$0x81] =	vst.msk $0xffff, v1  }
0x5d: {  	s19 =	sshrl.u32 s19, $0x2;
	v1 =	vld [tilespmem:s20+$0xFFFFFFC0];
	[tilespmem:s21+$0x1020 ss:$0x81] =	vst.msk $0xffff, v5;
	s20 =	sadd.s32 $0x80, s20  }
0x5e: {  	s23 =	simm.s32 $0x4;
	s24 =	simm.s32 $0x8;
	s19 =	sor.u32 $0x8000, s19;
	[tilespmem:s21+$0x1830 ss:$0x81] =	vst.msk $0xffff, v6;
	v0 =	vld [tilespmem:s20+$0x30]  }
.LBB1_3:
0x5f: {  	p1 =	sne.s32 s24, $0x1FC;
	v5 =	vld [tilespmem:s20+$0xFFFFFFD0];
	[tilespmem:s21+$0x2040 ss:$0x81] =	vst.msk $0xffff, v4  }
0x60: {  	v6 =	vld [tilespmem:s20+$0xFFFFFFE0];
	[tilespmem:s21+$0x2850 ss:$0x81] =	vst.msk $0xffff, v3  }
0x61: {  	s25 =	sshra.s32 s23, $0x2;
	s23 =	smov.u32 s24;
	v7 =	vld [tilespmem:s20+$0xFFFFFFF0];
	[tilespmem:s21+$0x3060 ss:$0x81] =	vst.msk $0xffff, v2  }
.Ltmp3:
0x62: {  	v4 =	vld [tilespmem:s20+$0x0];
	[tilespmem:s21+$0x0 ss:$0x81] =	vst.msk $0xffff, v1;
	s21 =	sadd.s32 s25, s22;
	(pc) =	sbr.rel @p1 .LBB1_3-.Ltmp3, $4  }
0x63: {  	v3 =	vld [tilespmem:s20+$0x10];
	[tilespmem:s21+$0x3870 ss:$0x81] =	vst.msk $0xffff, v0  }
0x64: {  	[tilespmem:s21+$0x810 ss:$0x81] =	vst.msk $0xffff, v5;
	v2 =	vld [tilespmem:s20+$0x20]  }
0x65: {  	v1 =	vld [tilespmem:s20+$0xFFFFFFC0];
	[tilespmem:s21+$0x1020 ss:$0x81] =	vst.msk $0xffff, v6;
	s20 =	sadd.s32 $0x80, s20  }
0x66: {  	s24 =	sadd.s32 $0x4, s24;
	v0 =	vld [tilespmem:s20+$0x30];
	[tilespmem:s21+$0x1830 ss:$0x81] =	vst.msk $0xffff, v7  }
.Ltmp4:
0x67: {  	_ = 	snop;
	(pc) =	sbr.rel .LBB1_4-.Ltmp4, $1  }
0x68: {  	_ =	sdelay $0x3  }
.LBB1_6:
0x69: {  	_ =	sfence.sel $0x180000  }
0x6a: {  	s2 =	simm.s32 $0x1;
	[bflag:$0x0] =	sbarrier.arrive $0xFFFF  }
0x6b: {  	s31 =	simm.s32 $0x2;
	[sflag:s2] =	ssyncpa.u1 $0x1  }
0x6c: {  	[sflag:s31] =	ssyncpa.u1 $0x1  }
0x6d: {  	p0 =	sne.s32 s0, $0x0;
	_ =	strace $0x9000004A  }
0x6e: {  	s0 =	sadd.s32 @!p0 $0x100000, s1;
	[bflag:$0x2] =	sbarrier.arrive $0xFFFF  }
0x6f: {  	[sflag:s0] =	ssyncadd.tile.s32 @!p0 $0x1;
	_ =	shalt  }
.Lfunc_end1:
_tile_overlayer_lowered:
.L_overlay_start_2:
0x70: {  	(tag) =	ssettag $0x2  }
0x71: {  	s0 =	rddreg [dreg:$0x0];
	s2 =	stileid.u32  }
0x72: {  	s1 =	rddreg [dreg:$0x1];
	p0 =	sne.s32 s2, $0x0  }
0x73: {  	s3 =	rddreg [dreg:$0x2];
	[bflag:$0x3] =	sbarrier.arrive $0xFFFF;
	s2 =	simm.s32 @!p0 $0x1C01  }
0x74: {  	[timem:s3], [sflag:s2] =	dma.local @!p0 [hbm:s0], s1  }
0x75: {  	s0 =	simm.s32 @!p0 $0x1  }
0x76: {  	_ =	swait.ge @!p0 [sflag:s0], s1  }
0x77: {  	s1 =	ssub.s32 @!p0 $0x0, s1;
	[sflag:s0] =	ssyncset.done @!p0 $0x0  }
0x78: {  	[sflag:s0] =	ssyncadd.s32 @!p0 s1  }
0x79: {  	[bflag:$0x3] =	sbarrier.arrive $0xFFFF  }
0x7a: {  	_ =	shalt  }

</sc_bundles>
